<compile_context>
chip_gen: v7x
topology: tpu7x:2x2x1
jax: 0.10.2.dev20260603
libtpu: 0.0.44.dev20260713+nightly
codegen_flags: <defaults>
</compile_context>

<pallas_src>
import functools

import jax
import jax.numpy as jnp
from jax import lax
from jax.experimental import pallas as pl
from jax.experimental.pallas import tpu as pltpu
from jax.experimental.pallas import tpu_sc as plsc

_NC = 2
_NS = 16
_CHUNKS = 4


def _proj_kernel(emb_ref, wt_ref, b_ref, p_ref):
    p_ref[...] = (
        jnp.dot(emb_ref[...], wt_ref[...], preferred_element_type=jnp.float32)
        + b_ref[...]
    )


def _compute_table(emb, wt, b2d):
    v = emb.shape[0]
    n = wt.shape[1]
    return pl.pallas_call(
        _proj_kernel,
        out_shape=jax.ShapeDtypeStruct((v, n), jnp.float32),
    )(emb, wt, b2d)


def _sc_gather_chunk(p, idx_flat, nb, spad):
    d = p.shape[2]
    sub = p.shape[1]
    nw = _NC * _NS
    bpw = nb // nw
    mesh = plsc.VectorSubcoreMesh(core_axis_name="c", subcore_axis_name="s")

    @functools.partial(
        pl.kernel,
        mesh=mesh,
        out_type=jax.ShapeDtypeStruct((nb, spad, sub, d), jnp.float32),
        scratch_types=[
            pltpu.VMEM((bpw * spad,), jnp.int32),
            pltpu.VMEM((2, spad, sub, d), jnp.float32),
            pltpu.SemaphoreType.DMA,
            pltpu.SemaphoreType.DMA,
            pltpu.SemaphoreType.DMA,
        ],
    )
    def k(p_hbm, idx_hbm, out_hbm, idx_v, rows_v, gsem, wsem0, wsem1):
        wid = lax.axis_index("s") * _NC + lax.axis_index("c")
        base = wid * bpw
        pltpu.sync_copy(idx_hbm.at[pl.ds(base * spad, bpw * spad)], idx_v)
        wsems = (wsem0, wsem1)

        def body(j2, carry):
            for t in (0, 1):
                j = 2 * j2 + t

                @pl.when(j2 >= 1)
                def _(t=t, j=j):
                    pltpu.make_async_copy(
                        rows_v.at[t], out_hbm.at[base + j - 2], wsems[t]
                    ).wait()

                pltpu.async_copy(
                    p_hbm.at[idx_v.at[pl.ds(j * spad, spad)]],
                    rows_v.at[t],
                    gsem,
                ).wait()
                pltpu.async_copy(
                    rows_v.at[t], out_hbm.at[base + j], wsems[t]
                )
            return carry

        lax.fori_loop(0, bpw // 2, body, 0)
        for t in (0, 1):
            pltpu.make_async_copy(
                rows_v.at[t], out_hbm.at[base + bpw - 2 + t], wsems[t]
            ).wait()

    return k(p, idx_flat)


def kernel(input_seq, emb_table, W, b):
    batch, seq = input_seq.shape
    vocab, dim = emb_table.shape
    dpad = 1024
    spad = 56
    idx_flat = jnp.pad(
        input_seq.astype(jnp.int32), ((0, 0), (0, spad - seq))
    ).reshape(-1)
    wtp = jnp.pad(W.T, ((0, 0), (0, dpad - vocab)))
    b2 = jnp.pad(b, (0, dpad - vocab)).reshape(1, dpad)
    p = _compute_table(emb_table, wtp, b2).reshape(vocab, 8, dpad // 8)
    nb = batch // _CHUNKS
    parts = []
    for c in range(_CHUNKS):
        pad_chunk = _sc_gather_chunk(
            p, lax.dynamic_slice_in_dim(idx_flat, c * nb * spad, nb * spad),
            nb, spad,
        )
        parts.append(
            pad_chunk.reshape(nb, spad, dpad)[:, :seq, :vocab]
        )
    return jnp.concatenate(parts, axis=0)

# --- scband reference (transcript-rebuilt; emitter-appended) ---
"""Pipeline reference for scband-base-14001593385365 (READ-ONLY COPY).

The authoritative reference and input builder live on the scoring server;
editing this copy changes nothing except your own understanding.
"""

import jax, jax.numpy as jnp
import numpy as np

TOKEN_NUM = 1000
DIMS = 128
BATCH = 1024
SEQ = 50

def setup_inputs(seed: int = 0) -> dict:
    key = jax.random.key(seed)
    k1, k2, k3, k4 = jax.random.split(key, 4)
    input_seq = jax.random.randint(k1, (BATCH, SEQ), 0, TOKEN_NUM, dtype=jnp.int64 if jax.config.jax_enable_x64 else jnp.int32)
    emb_table = jax.random.normal(k2, (TOKEN_NUM, DIMS), dtype=jnp.float32)
    W = jax.random.normal(k3, (TOKEN_NUM, DIMS), dtype=jnp.float32) * (1.0 / np.sqrt(DIMS))
    b = jax.random.normal(k4, (TOKEN_NUM,), dtype=jnp.float32) * 0.01
    return {"input_seq": input_seq, "emb_table": emb_table, "W": W, "b": b}

def reference(input_seq, emb_table, W, b):
    # embedding lookup (gather)
    embeddings = jnp.take(emb_table, input_seq, axis=0)  # [B, S, D]
    # linear: out = embeddings @ W^T + b
    out = jnp.einsum('bsd,vd->bsv', embeddings, W) + b  # [B, S, V]
    return out

if __name__ == "__main__":
    import jax
    _d = setup_inputs()
    print(jax.jit(kernel)(*tuple(_d.values())))

</pallas_src>

<mosaic_0001>
#map = affine_map<(d0, d1) -> (0, 0, 0)>
#map1 = affine_map<(d0, d1) -> (0)>
#map2 = affine_map<(d0, d1) -> (0, 0, 0, 0)>
module attributes {stable_mosaic.version = 14 : i64} {
  func.func @k(%arg0: i32, %arg1: i32, %arg2: memref<1000x8x128xf32, #tpu.memory_space<hbm>>, %arg3: memref<14336xi32, #tpu.memory_space<hbm>>, %arg4: memref<256x56x8x128xf32, #tpu.memory_space<hbm>>, %arg5: memref<448xi32, #tpu.memory_space<vmem>>, %arg6: memref<2x56x8x128xf32, #tpu.memory_space<vmem>>, %arg7: memref<!tpu.dma_semaphore, #tpu.memory_space<semaphore_mem>>, %arg8: memref<!tpu.dma_semaphore, #tpu.memory_space<semaphore_mem>>, %arg9: memref<!tpu.dma_semaphore, #tpu.memory_space<semaphore_mem>>) attributes {dimension_semantics = [#tpu.dimension_semantics<core_parallel>, #tpu.dimension_semantics<subcore_parallel>], iteration_bounds = array<i64: 2, 16>, scalar_prefetch = 0 : i64, scratch_operands = 5 : i64, tpu.core_type = #tpu.core_type<sc_vector_subcore>, window_params = [{transform_indices = #map}, {transform_indices = #map1}, {transform_indices = #map2}]} {
    %mul3A = arith.constant 2 : i32
    %mul3A_0 = arith.muli %arg1, %mul3A : i32
    %add3A = arith.addi %mul3A_0, %arg0 : i32
    %mul3A_1 = arith.constant 8 : i32
    %mul3A_2 = arith.muli %add3A, %mul3A_1 : i32
    %mul3A_3 = arith.constant 56 : i32
    %mul3A_4 = arith.muli %mul3A_2, %mul3A_3 : i32
    "tpu.region"() ({
      %run_scoped3A = tpu.sem_alloc : memref<!tpu.dma_semaphore, #tpu.memory_space<semaphore_mem>>
      %dma_start3A = tpu.memref_slice %arg3[%mul3A_4] : memref<14336xi32, #tpu.memory_space<hbm>> -> memref<448xi32, #tpu.memory_space<hbm>>
      %dma_start3A_62 = tpu.memref_slice %arg3[%mul3A_4] : memref<14336xi32, #tpu.memory_space<hbm>> -> memref<448xi32, #tpu.memory_space<hbm>>
      tpu.enqueue_dma source(%dma_start3A_62 : memref<448xi32, #tpu.memory_space<hbm>>) target(%arg5 : memref<448xi32, #tpu.memory_space<vmem>>) target_semaphore(%run_scoped3A : memref<!tpu.dma_semaphore, #tpu.memory_space<semaphore_mem>>)
      %dma_wait3A_63 = tpu.memref_slice %arg3[%mul3A_4] : memref<14336xi32, #tpu.memory_space<hbm>> -> memref<448xi32, #tpu.memory_space<hbm>>
      %dma_wait3A_64 = tpu.memref_slice %arg3[%mul3A_4] : memref<14336xi32, #tpu.memory_space<hbm>> -> memref<448xi32, #tpu.memory_space<hbm>>
      tpu.wait_dma2 semaphore(%run_scoped3A : memref<!tpu.dma_semaphore, #tpu.memory_space<semaphore_mem>>) src(%dma_wait3A_64 : memref<448xi32, #tpu.memory_space<hbm>>) dst(%arg5 : memref<448xi32, #tpu.memory_space<vmem>>)
      tpu.yield
    }) : () -> ()
    %scan3A = arith.constant 0 : i32
    %scan3A_5 = arith.constant 0 : i32
    %scan3A_6 = arith.constant 4 : i32
    %scan3A_7 = arith.addi %scan3A_5, %scan3A_6 : i32
    %scan3A_8 = arith.constant 1 : i32
    scf.for %scan3A_62 = %scan3A_5 to %scan3A_7 step %scan3A_8  : i32 {
      %mul3A_63 = arith.constant 2 : i32
      %mul3A_64 = arith.muli %mul3A_63, %scan3A_62 : i32
      %add3A_65 = arith.constant 0 : i32
      %add3A_66 = arith.addi %mul3A_64, %add3A_65 : i32
      %ge3A = arith.constant 1 : i32
      %ge3A_67 = arith.cmpi sge, %scan3A_62, %ge3A : i32
      %convert_element_type3A = arith.extui %ge3A_67 : i1 to i32
      %cond3A = arith.constant 0 : i32
      %cond3A_68 = arith.cmpi ne, %convert_element_type3A, %cond3A : i32
      scf.if %cond3A_68 {
        %add3A_169 = arith.addi %mul3A_2, %add3A_66 : i32
        %sub3A_170 = arith.constant 2 : i32
        %sub3A_171 = arith.subi %add3A_169, %sub3A_170 : i32
        %dma_wait3A_172 = arith.constant 0 : i32
        %dma_wait3A_173 = arith.constant 0 : i32
        %dma_wait3A_174 = arith.constant 0 : i32
        %dma_wait3A_175 = arith.constant 0 : i32
        %dma_wait3A_176 = tpu.memref_slice %arg6[%dma_wait3A_172, %dma_wait3A_173, %dma_wait3A_174, %dma_wait3A_175] : memref<2x56x8x128xf32, #tpu.memory_space<vmem>> -> memref<1x56x8x128xf32, #tpu.memory_space<vmem>>
        %dma_wait3A_177 = tpu.memref_squeeze %dma_wait3A_176 : memref<1x56x8x128xf32, #tpu.memory_space<vmem>> -> memref<56x8x128xf32, #tpu.memory_space<vmem>>
        %dma_wait3A_178 = arith.constant 0 : i32
        %dma_wait3A_179 = arith.constant 0 : i32
        %dma_wait3A_180 = arith.constant 0 : i32
        %dma_wait3A_181 = tpu.memref_slice %arg4[%sub3A_171, %dma_wait3A_178, %dma_wait3A_179, %dma_wait3A_180] : memref<256x56x8x128xf32, #tpu.memory_space<hbm>> -> memref<1x56x8x128xf32, #tpu.memory_space<hbm>>
        %dma_wait3A_182 = tpu.memref_squeeze %dma_wait3A_181 : memref<1x56x8x128xf32, #tpu.memory_space<hbm>> -> memref<56x8x128xf32, #tpu.memory_space<hbm>>
        %dma_wait3A_183 = arith.constant 0 : i32
        %dma_wait3A_184 = arith.constant 0 : i32
        %dma_wait3A_185 = arith.constant 0 : i32
        %dma_wait3A_186 = tpu.memref_slice %arg4[%sub3A_171, %dma_wait3A_183, %dma_wait3A_184, %dma_wait3A_185] : memref<256x56x8x128xf32, #tpu.memory_space<hbm>> -> memref<1x56x8x128xf32, #tpu.memory_space<hbm>>
        %dma_wait3A_187 = tpu.memref_squeeze %dma_wait3A_186 : memref<1x56x8x128xf32, #tpu.memory_space<hbm>> -> memref<56x8x128xf32, #tpu.memory_space<hbm>>
        %dma_wait3A_188 = arith.constant 0 : i32
        %dma_wait3A_189 = arith.constant 0 : i32
        %dma_wait3A_190 = arith.constant 0 : i32
        %dma_wait3A_191 = tpu.memref_slice %arg6[%dma_wait3A_172, %dma_wait3A_188, %dma_wait3A_189, %dma_wait3A_190] : memref<2x56x8x128xf32, #tpu.memory_space<vmem>> -> memref<1x56x8x128xf32, #tpu.memory_space<vmem>>
        %dma_wait3A_192 = tpu.memref_squeeze %dma_wait3A_191 : memref<1x56x8x128xf32, #tpu.memory_space<vmem>> -> memref<56x8x128xf32, #tpu.memory_space<vmem>>
        tpu.wait_dma2 semaphore(%arg8 : memref<!tpu.dma_semaphore, #tpu.memory_space<semaphore_mem>>) src(%dma_wait3A_192 : memref<56x8x128xf32, #tpu.memory_space<vmem>>) dst(%dma_wait3A_187 : memref<56x8x128xf32, #tpu.memory_space<hbm>>)
      } else {
      }
      %mul3A_69 = arith.constant 56 : i32
      %mul3A_70 = arith.muli %add3A_66, %mul3A_69 : i32
      %dma_start3A = arith.constant 0 : i32
      %dma_start3A_71 = arith.constant 0 : i32
      %dma_start3A_72 = arith.constant 0 : i32
      %dma_start3A_73 = arith.constant 0 : i32
      %dma_start3A_74 = tpu.memref_slice %arg6[%dma_start3A, %dma_start3A_71, %dma_start3A_72, %dma_start3A_73] : memref<2x56x8x128xf32, #tpu.memory_space<vmem>> -> memref<1x56x8x128xf32, #tpu.memory_space<vmem>>
      %dma_start3A_75 = tpu.memref_squeeze %dma_start3A_74 : memref<1x56x8x128xf32, #tpu.memory_space<vmem>> -> memref<56x8x128xf32, #tpu.memory_space<vmem>>
      %dma_start3A_76 = tpu.memref_slice %arg5[%mul3A_70] : memref<448xi32, #tpu.memory_space<vmem>> -> memref<56xi32, #tpu.memory_space<vmem>>
      %dma_start3A_77 = arith.constant 0 : i32
      %dma_start3A_78 = arith.constant 0 : i32
      %dma_start3A_79 = arith.constant 0 : i32
      %dma_start3A_80 = tpu.memref_slice %arg2[%dma_start3A_77, %dma_start3A_78, %dma_start3A_79] : memref<1000x8x128xf32, #tpu.memory_space<hbm>> -> memref<1000x8x128xf32, #tpu.memory_space<hbm>>
      tpu.enqueue_indirect_dma source(%dma_start3A_80 : memref<1000x8x128xf32, #tpu.memory_space<hbm>>) target(%dma_start3A_75 : memref<56x8x128xf32, #tpu.memory_space<vmem>>) offsets(%dma_start3A_76 : memref<56xi32, #tpu.memory_space<vmem>>) semaphore(%arg7 : memref<!tpu.dma_semaphore, #tpu.memory_space<semaphore_mem>>)
      %dma_wait3A_81 = arith.constant 0 : i32
      %dma_wait3A_82 = arith.constant 0 : i32
      %dma_wait3A_83 = arith.constant 0 : i32
      %dma_wait3A_84 = arith.constant 0 : i32
      %dma_wait3A_85 = tpu.memref_slice %arg6[%dma_wait3A_81, %dma_wait3A_82, %dma_wait3A_83, %dma_wait3A_84] : memref<2x56x8x128xf32, #tpu.memory_space<vmem>> -> memref<1x56x8x128xf32, #tpu.memory_space<vmem>>
      %dma_wait3A_86 = tpu.memref_squeeze %dma_wait3A_85 : memref<1x56x8x128xf32, #tpu.memory_space<vmem>> -> memref<56x8x128xf32, #tpu.memory_space<vmem>>
      %dma_wait3A_87 = tpu.memref_slice %arg5[%mul3A_70] : memref<448xi32, #tpu.memory_space<vmem>> -> memref<56xi32, #tpu.memory_space<vmem>>
      %dma_wait3A_88 = arith.constant 0 : i32
      %dma_wait3A_89 = arith.constant 0 : i32
      %dma_wait3A_90 = arith.constant 0 : i32
      %dma_wait3A_91 = tpu.memref_slice %arg2[%dma_wait3A_88, %dma_wait3A_89, %dma_wait3A_90] : memref<1000x8x128xf32, #tpu.memory_space<hbm>> -> memref<1000x8x128xf32, #tpu.memory_space<hbm>>
      tpu.wait_indirect_dma semaphore(%arg7 : memref<!tpu.dma_semaphore, #tpu.memory_space<semaphore_mem>>) src(%dma_wait3A_91 : memref<1000x8x128xf32, #tpu.memory_space<hbm>>) dst(%dma_wait3A_86 : memref<56x8x128xf32, #tpu.memory_space<vmem>>)
      %add3A_92 = arith.addi %mul3A_2, %add3A_66 : i32
      %dma_start3A_93 = arith.constant 0 : i32
      %dma_start3A_94 = arith.constant 0 : i32
      %dma_start3A_95 = arith.constant 0 : i32
      %dma_start3A_96 = arith.constant 0 : i32
      %dma_start3A_97 = tpu.memref_slice %arg6[%dma_start3A_93, %dma_start3A_94, %dma_start3A_95, %dma_start3A_96] : memref<2x56x8x128xf32, #tpu.memory_space<vmem>> -> memref<1x56x8x128xf32, #tpu.memory_space<vmem>>
      %dma_start3A_98 = tpu.memref_squeeze %dma_start3A_97 : memref<1x56x8x128xf32, #tpu.memory_space<vmem>> -> memref<56x8x128xf32, #tpu.memory_space<vmem>>
      %dma_start3A_99 = arith.constant 0 : i32
      %dma_start3A_100 = arith.constant 0 : i32
      %dma_start3A_101 = arith.constant 0 : i32
      %dma_start3A_102 = tpu.memref_slice %arg4[%add3A_92, %dma_start3A_99, %dma_start3A_100, %dma_start3A_101] : memref<256x56x8x128xf32, #tpu.memory_space<hbm>> -> memref<1x56x8x128xf32, #tpu.memory_space<hbm>>
      %dma_start3A_103 = tpu.memref_squeeze %dma_start3A_102 : memref<1x56x8x128xf32, #tpu.memory_space<hbm>> -> memref<56x8x128xf32, #tpu.memory_space<hbm>>
      %dma_start3A_104 = arith.constant 0 : i32
      %dma_start3A_105 = arith.constant 0 : i32
      %dma_start3A_106 = arith.constant 0 : i32
      %dma_start3A_107 = tpu.memref_slice %arg4[%add3A_92, %dma_start3A_104, %dma_start3A_105, %dma_start3A_106] : memref<256x56x8x128xf32, #tpu.memory_space<hbm>> -> memref<1x56x8x128xf32, #tpu.memory_space<hbm>>
      %dma_start3A_108 = tpu.memref_squeeze %dma_start3A_107 : memref<1x56x8x128xf32, #tpu.memory_space<hbm>> -> memref<56x8x128xf32, #tpu.memory_space<hbm>>
      %dma_start3A_109 = arith.constant 0 : i32
      %dma_start3A_110 = arith.constant 0 : i32
      %dma_start3A_111 = arith.constant 0 : i32
      %dma_start3A_112 = tpu.memref_slice %arg6[%dma_start3A_93, %dma_start3A_109, %dma_start3A_110, %dma_start3A_111] : memref<2x56x8x128xf32, #tpu.memory_space<vmem>> -> memref<1x56x8x128xf32, #tpu.memory_space<vmem>>
      %dma_start3A_113 = tpu.memref_squeeze %dma_start3A_112 : memref<1x56x8x128xf32, #tpu.memory_space<vmem>> -> memref<56x8x128xf32, #tpu.memory_space<vmem>>
      tpu.enqueue_dma source(%dma_start3A_113 : memref<56x8x128xf32, #tpu.memory_space<vmem>>) target(%dma_start3A_108 : memref<56x8x128xf32, #tpu.memory_space<hbm>>) target_semaphore(%arg8 : memref<!tpu.dma_semaphore, #tpu.memory_space<semaphore_mem>>)
      %mul3A_114 = arith.constant 2 : i32
      %mul3A_115 = arith.muli %mul3A_114, %scan3A_62 : i32
      %add3A_116 = arith.constant 1 : i32
      %add3A_117 = arith.addi %mul3A_115, %add3A_116 : i32
      %ge3A_118 = arith.constant 1 : i32
      %ge3A_119 = arith.cmpi sge, %scan3A_62, %ge3A_118 : i32
      %convert_element_type3A_120 = arith.extui %ge3A_119 : i1 to i32
      %cond3A_121 = arith.constant 0 : i32
      %cond3A_122 = arith.cmpi ne, %convert_element_type3A_120, %cond3A_121 : i32
      scf.if %cond3A_122 {
        %add3A_169 = arith.addi %mul3A_2, %add3A_117 : i32
        %sub3A_170 = arith.constant 2 : i32
        %sub3A_171 = arith.subi %add3A_169, %sub3A_170 : i32
        %dma_wait3A_172 = arith.constant 1 : i32
        %dma_wait3A_173 = arith.constant 0 : i32
        %dma_wait3A_174 = arith.constant 0 : i32
        %dma_wait3A_175 = arith.constant 0 : i32
        %dma_wait3A_176 = tpu.memref_slice %arg6[%dma_wait3A_172, %dma_wait3A_173, %dma_wait3A_174, %dma_wait3A_175] : memref<2x56x8x128xf32, #tpu.memory_space<vmem>> -> memref<1x56x8x128xf32, #tpu.memory_space<vmem>>
        %dma_wait3A_177 = tpu.memref_squeeze %dma_wait3A_176 : memref<1x56x8x128xf32, #tpu.memory_space<vmem>> -> memref<56x8x128xf32, #tpu.memory_space<vmem>>
        %dma_wait3A_178 = arith.constant 0 : i32
        %dma_wait3A_179 = arith.constant 0 : i32
        %dma_wait3A_180 = arith.constant 0 : i32
        %dma_wait3A_181 = tpu.memref_slice %arg4[%sub3A_171, %dma_wait3A_178, %dma_wait3A_179, %dma_wait3A_180] : memref<256x56x8x128xf32, #tpu.memory_space<hbm>> -> memref<1x56x8x128xf32, #tpu.memory_space<hbm>>
        %dma_wait3A_182 = tpu.memref_squeeze %dma_wait3A_181 : memref<1x56x8x128xf32, #tpu.memory_space<hbm>> -> memref<56x8x128xf32, #tpu.memory_space<hbm>>
        %dma_wait3A_183 = arith.constant 0 : i32
        %dma_wait3A_184 = arith.constant 0 : i32
        %dma_wait3A_185 = arith.constant 0 : i32
        %dma_wait3A_186 = tpu.memref_slice %arg4[%sub3A_171, %dma_wait3A_183, %dma_wait3A_184, %dma_wait3A_185] : memref<256x56x8x128xf32, #tpu.memory_space<hbm>> -> memref<1x56x8x128xf32, #tpu.memory_space<hbm>>
        %dma_wait3A_187 = tpu.memref_squeeze %dma_wait3A_186 : memref<1x56x8x128xf32, #tpu.memory_space<hbm>> -> memref<56x8x128xf32, #tpu.memory_space<hbm>>
        %dma_wait3A_188 = arith.constant 0 : i32
        %dma_wait3A_189 = arith.constant 0 : i32
        %dma_wait3A_190 = arith.constant 0 : i32
        %dma_wait3A_191 = tpu.memref_slice %arg6[%dma_wait3A_172, %dma_wait3A_188, %dma_wait3A_189, %dma_wait3A_190] : memref<2x56x8x128xf32, #tpu.memory_space<vmem>> -> memref<1x56x8x128xf32, #tpu.memory_space<vmem>>
        %dma_wait3A_192 = tpu.memref_squeeze %dma_wait3A_191 : memref<1x56x8x128xf32, #tpu.memory_space<vmem>> -> memref<56x8x128xf32, #tpu.memory_space<vmem>>
        tpu.wait_dma2 semaphore(%arg9 : memref<!tpu.dma_semaphore, #tpu.memory_space<semaphore_mem>>) src(%dma_wait3A_192 : memref<56x8x128xf32, #tpu.memory_space<vmem>>) dst(%dma_wait3A_187 : memref<56x8x128xf32, #tpu.memory_space<hbm>>)
      } else {
      }
      %mul3A_123 = arith.constant 56 : i32
      %mul3A_124 = arith.muli %add3A_117, %mul3A_123 : i32
      %dma_start3A_125 = arith.constant 1 : i32
      %dma_start3A_126 = arith.constant 0 : i32
      %dma_start3A_127 = arith.constant 0 : i32
      %dma_start3A_128 = arith.constant 0 : i32
      %dma_start3A_129 = tpu.memref_slice %arg6[%dma_start3A_125, %dma_start3A_126, %dma_start3A_127, %dma_start3A_128] : memref<2x56x8x128xf32, #tpu.memory_space<vmem>> -> memref<1x56x8x128xf32, #tpu.memory_space<vmem>>
      %dma_start3A_130 = tpu.memref_squeeze %dma_start3A_129 : memref<1x56x8x128xf32, #tpu.memory_space<vmem>> -> memref<56x8x128xf32, #tpu.memory_space<vmem>>
      %dma_start3A_131 = tpu.memref_slice %arg5[%mul3A_124] : memref<448xi32, #tpu.memory_space<vmem>> -> memref<56xi32, #tpu.memory_space<vmem>>
      %dma_start3A_132 = arith.constant 0 : i32
      %dma_start3A_133 = arith.constant 0 : i32
      %dma_start3A_134 = arith.constant 0 : i32
      %dma_start3A_135 = tpu.memref_slice %arg2[%dma_start3A_132, %dma_start3A_133, %dma_start3A_134] : memref<1000x8x128xf32, #tpu.memory_space<hbm>> -> memref<1000x8x128xf32, #tpu.memory_space<hbm>>
      tpu.enqueue_indirect_dma source(%dma_start3A_135 : memref<1000x8x128xf32, #tpu.memory_space<hbm>>) target(%dma_start3A_130 : memref<56x8x128xf32, #tpu.memory_space<vmem>>) offsets(%dma_start3A_131 : memref<56xi32, #tpu.memory_space<vmem>>) semaphore(%arg7 : memref<!tpu.dma_semaphore, #tpu.memory_space<semaphore_mem>>)
      %dma_wait3A_136 = arith.constant 1 : i32
      %dma_wait3A_137 = arith.constant 0 : i32
      %dma_wait3A_138 = arith.constant 0 : i32
      %dma_wait3A_139 = arith.constant 0 : i32
      %dma_wait3A_140 = tpu.memref_slice %arg6[%dma_wait3A_136, %dma_wait3A_137, %dma_wait3A_138, %dma_wait3A_139] : memref<2x56x8x128xf32, #tpu.memory_space<vmem>> -> memref<1x56x8x128xf32, #tpu.memory_space<vmem>>
      %dma_wait3A_141 = tpu.memref_squeeze %dma_wait3A_140 : memref<1x56x8x128xf32, #tpu.memory_space<vmem>> -> memref<56x8x128xf32, #tpu.memory_space<vmem>>
      %dma_wait3A_142 = tpu.memref_slice %arg5[%mul3A_124] : memref<448xi32, #tpu.memory_space<vmem>> -> memref<56xi32, #tpu.memory_space<vmem>>
      %dma_wait3A_143 = arith.constant 0 : i32
      %dma_wait3A_144 = arith.constant 0 : i32
      %dma_wait3A_145 = arith.constant 0 : i32
      %dma_wait3A_146 = tpu.memref_slice %arg2[%dma_wait3A_143, %dma_wait3A_144, %dma_wait3A_145] : memref<1000x8x128xf32, #tpu.memory_space<hbm>> -> memref<1000x8x128xf32, #tpu.memory_space<hbm>>
      tpu.wait_indirect_dma semaphore(%arg7 : memref<!tpu.dma_semaphore, #tpu.memory_space<semaphore_mem>>) src(%dma_wait3A_146 : memref<1000x8x128xf32, #tpu.memory_space<hbm>>) dst(%dma_wait3A_141 : memref<56x8x128xf32, #tpu.memory_space<vmem>>)
      %add3A_147 = arith.addi %mul3A_2, %add3A_117 : i32
      %dma_start3A_148 = arith.constant 1 : i32
      %dma_start3A_149 = arith.constant 0 : i32
      %dma_start3A_150 = arith.constant 0 : i32
      %dma_start3A_151 = arith.constant 0 : i32
      %dma_start3A_152 = tpu.memref_slice %arg6[%dma_start3A_148, %dma_start3A_149, %dma_start3A_150, %dma_start3A_151] : memref<2x56x8x128xf32, #tpu.memory_space<vmem>> -> memref<1x56x8x128xf32, #tpu.memory_space<vmem>>
      %dma_start3A_153 = tpu.memref_squeeze %dma_start3A_152 : memref<1x56x8x128xf32, #tpu.memory_space<vmem>> -> memref<56x8x128xf32, #tpu.memory_space<vmem>>
      %dma_start3A_154 = arith.constant 0 : i32
      %dma_start3A_155 = arith.constant 0 : i32
      %dma_start3A_156 = arith.constant 0 : i32
      %dma_start3A_157 = tpu.memref_slice %arg4[%add3A_147, %dma_start3A_154, %dma_start3A_155, %dma_start3A_156] : memref<256x56x8x128xf32, #tpu.memory_space<hbm>> -> memref<1x56x8x128xf32, #tpu.memory_space<hbm>>
      %dma_start3A_158 = tpu.memref_squeeze %dma_start3A_157 : memref<1x56x8x128xf32, #tpu.memory_space<hbm>> -> memref<56x8x128xf32, #tpu.memory_space<hbm>>
      %dma_start3A_159 = arith.constant 0 : i32
      %dma_start3A_160 = arith.constant 0 : i32
      %dma_start3A_161 = arith.constant 0 : i32
      %dma_start3A_162 = tpu.memref_slice %arg4[%add3A_147, %dma_start3A_159, %dma_start3A_160, %dma_start3A_161] : memref<256x56x8x128xf32, #tpu.memory_space<hbm>> -> memref<1x56x8x128xf32, #tpu.memory_space<hbm>>
      %dma_start3A_163 = tpu.memref_squeeze %dma_start3A_162 : memref<1x56x8x128xf32, #tpu.memory_space<hbm>> -> memref<56x8x128xf32, #tpu.memory_space<hbm>>
      %dma_start3A_164 = arith.constant 0 : i32
      %dma_start3A_165 = arith.constant 0 : i32
      %dma_start3A_166 = arith.constant 0 : i32
      %dma_start3A_167 = tpu.memref_slice %arg6[%dma_start3A_148, %dma_start3A_164, %dma_start3A_165, %dma_start3A_166] : memref<2x56x8x128xf32, #tpu.memory_space<vmem>> -> memref<1x56x8x128xf32, #tpu.memory_space<vmem>>
      %dma_start3A_168 = tpu.memref_squeeze %dma_start3A_167 : memref<1x56x8x128xf32, #tpu.memory_space<vmem>> -> memref<56x8x128xf32, #tpu.memory_space<vmem>>
      tpu.enqueue_dma source(%dma_start3A_168 : memref<56x8x128xf32, #tpu.memory_space<vmem>>) target(%dma_start3A_163 : memref<56x8x128xf32, #tpu.memory_space<hbm>>) target_semaphore(%arg9 : memref<!tpu.dma_semaphore, #tpu.memory_space<semaphore_mem>>)
    }
    %scan3A_9 = arith.constant 4 : i32
    %add3A_10 = arith.constant 8 : i32
    %add3A_11 = arith.addi %mul3A_2, %add3A_10 : i32
    %sub3A = arith.constant 2 : i32
    %sub3A_12 = arith.subi %add3A_11, %sub3A : i32
    %add3A_13 = arith.constant 0 : i32
    %add3A_14 = arith.addi %sub3A_12, %add3A_13 : i32
    %dma_wait3A = arith.constant 0 : i32
    %dma_wait3A_15 = arith.constant 0 : i32
    %dma_wait3A_16 = arith.constant 0 : i32
    %dma_wait3A_17 = arith.constant 0 : i32
    %dma_wait3A_18 = tpu.memref_slice %arg6[%dma_wait3A, %dma_wait3A_15, %dma_wait3A_16, %dma_wait3A_17] : memref<2x56x8x128xf32, #tpu.memory_space<vmem>> -> memref<1x56x8x128xf32, #tpu.memory_space<vmem>>
    %dma_wait3A_19 = tpu.memref_squeeze %dma_wait3A_18 : memref<1x56x8x128xf32, #tpu.memory_space<vmem>> -> memref<56x8x128xf32, #tpu.memory_space<vmem>>
    %dma_wait3A_20 = arith.constant 0 : i32
    %dma_wait3A_21 = arith.constant 0 : i32
    %dma_wait3A_22 = arith.constant 0 : i32
    %dma_wait3A_23 = tpu.memref_slice %arg4[%add3A_14, %dma_wait3A_20, %dma_wait3A_21, %dma_wait3A_22] : memref<256x56x8x128xf32, #tpu.memory_space<hbm>> -> memref<1x56x8x128xf32, #tpu.memory_space<hbm>>
    %dma_wait3A_24 = tpu.memref_squeeze %dma_wait3A_23 : memref<1x56x8x128xf32, #tpu.memory_space<hbm>> -> memref<56x8x128xf32, #tpu.memory_space<hbm>>
    %dma_wait3A_25 = arith.constant 0 : i32
    %dma_wait3A_26 = arith.constant 0 : i32
    %dma_wait3A_27 = arith.constant 0 : i32
    %dma_wait3A_28 = tpu.memref_slice %arg4[%add3A_14, %dma_wait3A_25, %dma_wait3A_26, %dma_wait3A_27] : memref<256x56x8x128xf32, #tpu.memory_space<hbm>> -> memref<1x56x8x128xf32, #tpu.memory_space<hbm>>
    %dma_wait3A_29 = tpu.memref_squeeze %dma_wait3A_28 : memref<1x56x8x128xf32, #tpu.memory_space<hbm>> -> memref<56x8x128xf32, #tpu.memory_space<hbm>>
    %dma_wait3A_30 = arith.constant 0 : i32
    %dma_wait3A_31 = arith.constant 0 : i32
    %dma_wait3A_32 = arith.constant 0 : i32
    %dma_wait3A_33 = tpu.memref_slice %arg6[%dma_wait3A, %dma_wait3A_30, %dma_wait3A_31, %dma_wait3A_32] : memref<2x56x8x128xf32, #tpu.memory_space<vmem>> -> memref<1x56x8x128xf32, #tpu.memory_space<vmem>>
    %dma_wait3A_34 = tpu.memref_squeeze %dma_wait3A_33 : memref<1x56x8x128xf32, #tpu.memory_space<vmem>> -> memref<56x8x128xf32, #tpu.memory_space<vmem>>
    tpu.wait_dma2 semaphore(%arg8 : memref<!tpu.dma_semaphore, #tpu.memory_space<semaphore_mem>>) src(%dma_wait3A_34 : memref<56x8x128xf32, #tpu.memory_space<vmem>>) dst(%dma_wait3A_29 : memref<56x8x128xf32, #tpu.memory_space<hbm>>)
    %add3A_35 = arith.constant 8 : i32
    %add3A_36 = arith.addi %mul3A_2, %add3A_35 : i32
    %sub3A_37 = arith.constant 2 : i32
    %sub3A_38 = arith.subi %add3A_36, %sub3A_37 : i32
    %add3A_39 = arith.constant 1 : i32
    %add3A_40 = arith.addi %sub3A_38, %add3A_39 : i32
    %dma_wait3A_41 = arith.constant 1 : i32
    %dma_wait3A_42 = arith.constant 0 : i32
    %dma_wait3A_43 = arith.constant 0 : i32
    %dma_wait3A_44 = arith.constant 0 : i32
    %dma_wait3A_45 = tpu.memref_slice %arg6[%dma_wait3A_41, %dma_wait3A_42, %dma_wait3A_43, %dma_wait3A_44] : memref<2x56x8x128xf32, #tpu.memory_space<vmem>> -> memref<1x56x8x128xf32, #tpu.memory_space<vmem>>
    %dma_wait3A_46 = tpu.memref_squeeze %dma_wait3A_45 : memref<1x56x8x128xf32, #tpu.memory_space<vmem>> -> memref<56x8x128xf32, #tpu.memory_space<vmem>>
    %dma_wait3A_47 = arith.constant 0 : i32
    %dma_wait3A_48 = arith.constant 0 : i32
    %dma_wait3A_49 = arith.constant 0 : i32
    %dma_wait3A_50 = tpu.memref_slice %arg4[%add3A_40, %dma_wait3A_47, %dma_wait3A_48, %dma_wait3A_49] : memref<256x56x8x128xf32, #tpu.memory_space<hbm>> -> memref<1x56x8x128xf32, #tpu.memory_space<hbm>>
    %dma_wait3A_51 = tpu.memref_squeeze %dma_wait3A_50 : memref<1x56x8x128xf32, #tpu.memory_space<hbm>> -> memref<56x8x128xf32, #tpu.memory_space<hbm>>
    %dma_wait3A_52 = arith.constant 0 : i32
    %dma_wait3A_53 = arith.constant 0 : i32
    %dma_wait3A_54 = arith.constant 0 : i32
    %dma_wait3A_55 = tpu.memref_slice %arg4[%add3A_40, %dma_wait3A_52, %dma_wait3A_53, %dma_wait3A_54] : memref<256x56x8x128xf32, #tpu.memory_space<hbm>> -> memref<1x56x8x128xf32, #tpu.memory_space<hbm>>
    %dma_wait3A_56 = tpu.memref_squeeze %dma_wait3A_55 : memref<1x56x8x128xf32, #tpu.memory_space<hbm>> -> memref<56x8x128xf32, #tpu.memory_space<hbm>>
    %dma_wait3A_57 = arith.constant 0 : i32
    %dma_wait3A_58 = arith.constant 0 : i32
    %dma_wait3A_59 = arith.constant 0 : i32
    %dma_wait3A_60 = tpu.memref_slice %arg6[%dma_wait3A_41, %dma_wait3A_57, %dma_wait3A_58, %dma_wait3A_59] : memref<2x56x8x128xf32, #tpu.memory_space<vmem>> -> memref<1x56x8x128xf32, #tpu.memory_space<vmem>>
    %dma_wait3A_61 = tpu.memref_squeeze %dma_wait3A_60 : memref<1x56x8x128xf32, #tpu.memory_space<vmem>> -> memref<56x8x128xf32, #tpu.memory_space<vmem>>
    tpu.wait_dma2 semaphore(%arg9 : memref<!tpu.dma_semaphore, #tpu.memory_space<semaphore_mem>>) src(%dma_wait3A_61 : memref<56x8x128xf32, #tpu.memory_space<vmem>>) dst(%dma_wait3A_56 : memref<56x8x128xf32, #tpu.memory_space<hbm>>)
    return
  }
}

#map = affine_map<(d0, d1) -> (0, 0, 0)>
#map1 = affine_map<(d0, d1) -> (0)>
#map2 = affine_map<(d0, d1) -> (0, 0, 0, 0)>
module attributes {stable_mosaic.version = 14 : i64} {
  func.func @k(%arg0: i32, %arg1: i32, %arg2: memref<1000x8x128xf32, #tpu.memory_space<hbm>>, %arg3: memref<14336xi32, #tpu.memory_space<hbm>>, %arg4: memref<256x56x8x128xf32, #tpu.memory_space<hbm>>, %arg5: memref<448xi32, #tpu.memory_space<vmem>>, %arg6: memref<2x56x8x128xf32, #tpu.memory_space<vmem>>, %arg7: memref<!tpu.dma_semaphore, #tpu.memory_space<semaphore_mem>>, %arg8: memref<!tpu.dma_semaphore, #tpu.memory_space<semaphore_mem>>, %arg9: memref<!tpu.dma_semaphore, #tpu.memory_space<semaphore_mem>>) attributes {dimension_semantics = [#tpu.dimension_semantics<core_parallel>, #tpu.dimension_semantics<subcore_parallel>], iteration_bounds = array<i64: 2, 16>, scalar_prefetch = 0 : i64, scratch_operands = 5 : i64, tpu.core_type = #tpu.core_type<sc_vector_subcore>, window_params = [{transform_indices = #map}, {transform_indices = #map1}, {transform_indices = #map2}]} {
    %mul3A = arith.constant 2 : i32
    %mul3A_0 = arith.muli %arg1, %mul3A : i32
    %add3A = arith.addi %mul3A_0, %arg0 : i32
    %mul3A_1 = arith.constant 8 : i32
    %mul3A_2 = arith.muli %add3A, %mul3A_1 : i32
    %mul3A_3 = arith.constant 56 : i32
    %mul3A_4 = arith.muli %mul3A_2, %mul3A_3 : i32
    "tpu.region"() ({
      %run_scoped3A = tpu.sem_alloc : memref<!tpu.dma_semaphore, #tpu.memory_space<semaphore_mem>>
      %dma_start3A = tpu.memref_slice %arg3[%mul3A_4] : memref<14336xi32, #tpu.memory_space<hbm>> -> memref<448xi32, #tpu.memory_space<hbm>>
      %dma_start3A_62 = tpu.memref_slice %arg3[%mul3A_4] : memref<14336xi32, #tpu.memory_space<hbm>> -> memref<448xi32, #tpu.memory_space<hbm>>
      tpu.enqueue_dma source(%dma_start3A_62 : memref<448xi32, #tpu.memory_space<hbm>>) target(%arg5 : memref<448xi32, #tpu.memory_space<vmem>>) target_semaphore(%run_scoped3A : memref<!tpu.dma_semaphore, #tpu.memory_space<semaphore_mem>>)
      %dma_wait3A_63 = tpu.memref_slice %arg3[%mul3A_4] : memref<14336xi32, #tpu.memory_space<hbm>> -> memref<448xi32, #tpu.memory_space<hbm>>
      %dma_wait3A_64 = tpu.memref_slice %arg3[%mul3A_4] : memref<14336xi32, #tpu.memory_space<hbm>> -> memref<448xi32, #tpu.memory_space<hbm>>
      tpu.wait_dma2 semaphore(%run_scoped3A : memref<!tpu.dma_semaphore, #tpu.memory_space<semaphore_mem>>) src(%dma_wait3A_64 : memref<448xi32, #tpu.memory_space<hbm>>) dst(%arg5 : memref<448xi32, #tpu.memory_space<vmem>>)
      tpu.yield
    }) : () -> ()
    %scan3A = arith.constant 0 : i32
    %scan3A_5 = arith.constant 0 : i32
    %scan3A_6 = arith.constant 4 : i32
    %scan3A_7 = arith.addi %scan3A_5, %scan3A_6 : i32
    %scan3A_8 = arith.constant 1 : i32
    scf.for %scan3A_62 = %scan3A_5 to %scan3A_7 step %scan3A_8  : i32 {
      %mul3A_63 = arith.constant 2 : i32
      %mul3A_64 = arith.muli %mul3A_63, %scan3A_62 : i32
      %add3A_65 = arith.constant 0 : i32
      %add3A_66 = arith.addi %mul3A_64, %add3A_65 : i32
      %ge3A = arith.constant 1 : i32
      %ge3A_67 = arith.cmpi sge, %scan3A_62, %ge3A : i32
      %convert_element_type3A = arith.extui %ge3A_67 : i1 to i32
      %cond3A = arith.constant 0 : i32
      %cond3A_68 = arith.cmpi ne, %convert_element_type3A, %cond3A : i32
      scf.if %cond3A_68 {
        %add3A_169 = arith.addi %mul3A_2, %add3A_66 : i32
        %sub3A_170 = arith.constant 2 : i32
        %sub3A_171 = arith.subi %add3A_169, %sub3A_170 : i32
        %dma_wait3A_172 = arith.constant 0 : i32
        %dma_wait3A_173 = arith.constant 0 : i32
        %dma_wait3A_174 = arith.constant 0 : i32
        %dma_wait3A_175 = arith.constant 0 : i32
        %dma_wait3A_176 = tpu.memref_slice %arg6[%dma_wait3A_172, %dma_wait3A_173, %dma_wait3A_174, %dma_wait3A_175] : memref<2x56x8x128xf32, #tpu.memory_space<vmem>> -> memref<1x56x8x128xf32, #tpu.memory_space<vmem>>
        %dma_wait3A_177 = tpu.memref_squeeze %dma_wait3A_176 : memref<1x56x8x128xf32, #tpu.memory_space<vmem>> -> memref<56x8x128xf32, #tpu.memory_space<vmem>>
        %dma_wait3A_178 = arith.constant 0 : i32
        %dma_wait3A_179 = arith.constant 0 : i32
        %dma_wait3A_180 = arith.constant 0 : i32
        %dma_wait3A_181 = tpu.memref_slice %arg4[%sub3A_171, %dma_wait3A_178, %dma_wait3A_179, %dma_wait3A_180] : memref<256x56x8x128xf32, #tpu.memory_space<hbm>> -> memref<1x56x8x128xf32, #tpu.memory_space<hbm>>
        %dma_wait3A_182 = tpu.memref_squeeze %dma_wait3A_181 : memref<1x56x8x128xf32, #tpu.memory_space<hbm>> -> memref<56x8x128xf32, #tpu.memory_space<hbm>>
        %dma_wait3A_183 = arith.constant 0 : i32
        %dma_wait3A_184 = arith.constant 0 : i32
        %dma_wait3A_185 = arith.constant 0 : i32
        %dma_wait3A_186 = tpu.memref_slice %arg4[%sub3A_171, %dma_wait3A_183, %dma_wait3A_184, %dma_wait3A_185] : memref<256x56x8x128xf32, #tpu.memory_space<hbm>> -> memref<1x56x8x128xf32, #tpu.memory_space<hbm>>
        %dma_wait3A_187 = tpu.memref_squeeze %dma_wait3A_186 : memref<1x56x8x128xf32, #tpu.memory_space<hbm>> -> memref<56x8x128xf32, #tpu.memory_space<hbm>>
        %dma_wait3A_188 = arith.constant 0 : i32
        %dma_wait3A_189 = arith.constant 0 : i32
        %dma_wait3A_190 = arith.constant 0 : i32
        %dma_wait3A_191 = tpu.memref_slice %arg6[%dma_wait3A_172, %dma_wait3A_188, %dma_wait3A_189, %dma_wait3A_190] : memref<2x56x8x128xf32, #tpu.memory_space<vmem>> -> memref<1x56x8x128xf32, #tpu.memory_space<vmem>>
        %dma_wait3A_192 = tpu.memref_squeeze %dma_wait3A_191 : memref<1x56x8x128xf32, #tpu.memory_space<vmem>> -> memref<56x8x128xf32, #tpu.memory_space<vmem>>
        tpu.wait_dma2 semaphore(%arg8 : memref<!tpu.dma_semaphore, #tpu.memory_space<semaphore_mem>>) src(%dma_wait3A_192 : memref<56x8x128xf32, #tpu.memory_space<vmem>>) dst(%dma_wait3A_187 : memref<56x8x128xf32, #tpu.memory_space<hbm>>)
      } else {
      }
      %mul3A_69 = arith.constant 56 : i32
      %mul3A_70 = arith.muli %add3A_66, %mul3A_69 : i32
      %dma_start3A = arith.constant 0 : i32
      %dma_start3A_71 = arith.constant 0 : i32
      %dma_start3A_72 = arith.constant 0 : i32
      %dma_start3A_73 = arith.constant 0 : i32
      %dma_start3A_74 = tpu.memref_slice %arg6[%dma_start3A, %dma_start3A_71, %dma_start3A_72, %dma_start3A_73] : memref<2x56x8x128xf32, #tpu.memory_space<vmem>> -> memref<1x56x8x128xf32, #tpu.memory_space<vmem>>
      %dma_start3A_75 = tpu.memref_squeeze %dma_start3A_74 : memref<1x56x8x128xf32, #tpu.memory_space<vmem>> -> memref<56x8x128xf32, #tpu.memory_space<vmem>>
      %dma_start3A_76 = tpu.memref_slice %arg5[%mul3A_70] : memref<448xi32, #tpu.memory_space<vmem>> -> memref<56xi32, #tpu.memory_space<vmem>>
      %dma_start3A_77 = arith.constant 0 : i32
      %dma_start3A_78 = arith.constant 0 : i32
      %dma_start3A_79 = arith.constant 0 : i32
      %dma_start3A_80 = tpu.memref_slice %arg2[%dma_start3A_77, %dma_start3A_78, %dma_start3A_79] : memref<1000x8x128xf32, #tpu.memory_space<hbm>> -> memref<1000x8x128xf32, #tpu.memory_space<hbm>>
      tpu.enqueue_indirect_dma source(%dma_start3A_80 : memref<1000x8x128xf32, #tpu.memory_space<hbm>>) target(%dma_start3A_75 : memref<56x8x128xf32, #tpu.memory_space<vmem>>) offsets(%dma_start3A_76 : memref<56xi32, #tpu.memory_space<vmem>>) semaphore(%arg7 : memref<!tpu.dma_semaphore, #tpu.memory_space<semaphore_mem>>)
      %dma_wait3A_81 = arith.constant 0 : i32
      %dma_wait3A_82 = arith.constant 0 : i32
      %dma_wait3A_83 = arith.constant 0 : i32
      %dma_wait3A_84 = arith.constant 0 : i32
      %dma_wait3A_85 = tpu.memref_slice %arg6[%dma_wait3A_81, %dma_wait3A_82, %dma_wait3A_83, %dma_wait3A_84] : memref<2x56x8x128xf32, #tpu.memory_space<vmem>> -> memref<1x56x8x128xf32, #tpu.memory_space<vmem>>
      %dma_wait3A_86 = tpu.memref_squeeze %dma_wait3A_85 : memref<1x56x8x128xf32, #tpu.memory_space<vmem>> -> memref<56x8x128xf32, #tpu.memory_space<vmem>>
      %dma_wait3A_87 = tpu.memref_slice %arg5[%mul3A_70] : memref<448xi32, #tpu.memory_space<vmem>> -> memref<56xi32, #tpu.memory_space<vmem>>
      %dma_wait3A_88 = arith.constant 0 : i32
      %dma_wait3A_89 = arith.constant 0 : i32
      %dma_wait3A_90 = arith.constant 0 : i32
      %dma_wait3A_91 = tpu.memref_slice %arg2[%dma_wait3A_88, %dma_wait3A_89, %dma_wait3A_90] : memref<1000x8x128xf32, #tpu.memory_space<hbm>> -> memref<1000x8x128xf32, #tpu.memory_space<hbm>>
      tpu.wait_indirect_dma semaphore(%arg7 : memref<!tpu.dma_semaphore, #tpu.memory_space<semaphore_mem>>) src(%dma_wait3A_91 : memref<1000x8x128xf32, #tpu.memory_space<hbm>>) dst(%dma_wait3A_86 : memref<56x8x128xf32, #tpu.memory_space<vmem>>)
      %add3A_92 = arith.addi %mul3A_2, %add3A_66 : i32
      %dma_start3A_93 = arith.constant 0 : i32
      %dma_start3A_94 = arith.constant 0 : i32
      %dma_start3A_95 = arith.constant 0 : i32
      %dma_start3A_96 = arith.constant 0 : i32
      %dma_start3A_97 = tpu.memref_slice %arg6[%dma_start3A_93, %dma_start3A_94, %dma_start3A_95, %dma_start3A_96] : memref<2x56x8x128xf32, #tpu.memory_space<vmem>> -> memref<1x56x8x128xf32, #tpu.memory_space<vmem>>
      %dma_start3A_98 = tpu.memref_squeeze %dma_start3A_97 : memref<1x56x8x128xf32, #tpu.memory_space<vmem>> -> memref<56x8x128xf32, #tpu.memory_space<vmem>>
      %dma_start3A_99 = arith.constant 0 : i32
      %dma_start3A_100 = arith.constant 0 : i32
      %dma_start3A_101 = arith.constant 0 : i32
      %dma_start3A_102 = tpu.memref_slice %arg4[%add3A_92, %dma_start3A_99, %dma_start3A_100, %dma_start3A_101] : memref<256x56x8x128xf32, #tpu.memory_space<hbm>> -> memref<1x56x8x128xf32, #tpu.memory_space<hbm>>
      %dma_start3A_103 = tpu.memref_squeeze %dma_start3A_102 : memref<1x56x8x128xf32, #tpu.memory_space<hbm>> -> memref<56x8x128xf32, #tpu.memory_space<hbm>>
      %dma_start3A_104 = arith.constant 0 : i32
      %dma_start3A_105 = arith.constant 0 : i32
      %dma_start3A_106 = arith.constant 0 : i32
      %dma_start3A_107 = tpu.memref_slice %arg4[%add3A_92, %dma_start3A_104, %dma_start3A_105, %dma_start3A_106] : memref<256x56x8x128xf32, #tpu.memory_space<hbm>> -> memref<1x56x8x128xf32, #tpu.memory_space<hbm>>
      %dma_start3A_108 = tpu.memref_squeeze %dma_start3A_107 : memref<1x56x8x128xf32, #tpu.memory_space<hbm>> -> memref<56x8x128xf32, #tpu.memory_space<hbm>>
      %dma_start3A_109 = arith.constant 0 : i32
      %dma_start3A_110 = arith.constant 0 : i32
      %dma_start3A_111 = arith.constant 0 : i32
      %dma_start3A_112 = tpu.memref_slice %arg6[%dma_start3A_93, %dma_start3A_109, %dma_start3A_110, %dma_start3A_111] : memref<2x56x8x128xf32, #tpu.memory_space<vmem>> -> memref<1x56x8x128xf32, #tpu.memory_space<vmem>>
      %dma_start3A_113 = tpu.memref_squeeze %dma_start3A_112 : memref<1x56x8x128xf32, #tpu.memory_space<vmem>> -> memref<56x8x128xf32, #tpu.memory_space<vmem>>
      tpu.enqueue_dma source(%dma_start3A_113 : memref<56x8x128xf32, #tpu.memory_space<vmem>>) target(%dma_start3A_108 : memref<56x8x128xf32, #tpu.memory_space<hbm>>) target_semaphore(%arg8 : memref<!tpu.dma_semaphore, #tpu.memory_space<semaphore_mem>>)
      %mul3A_114 = arith.constant 2 : i32
      %mul3A_115 = arith.muli %mul3A_114, %scan3A_62 : i32
      %add3A_116 = arith.constant 1 : i32
      %add3A_117 = arith.addi %mul3A_115, %add3A_116 : i32
      %ge3A_118 = arith.constant 1 : i32
      %ge3A_119 = arith.cmpi sge, %scan3A_62, %ge3A_118 : i32
      %convert_element_type3A_120 = arith.extui %ge3A_119 : i1 to i32
      %cond3A_121 = arith.constant 0 : i32
      %cond3A_122 = arith.cmpi ne, %convert_element_type3A_120, %cond3A_121 : i32
      scf.if %cond3A_122 {
        %add3A_169 = arith.addi %mul3A_2, %add3A_117 : i32
        %sub3A_170 = arith.constant 2 : i32
        %sub3A_171 = arith.subi %add3A_169, %sub3A_170 : i32
        %dma_wait3A_172 = arith.constant 1 : i32
        %dma_wait3A_173 = arith.constant 0 : i32
        %dma_wait3A_174 = arith.constant 0 : i32
        %dma_wait3A_175 = arith.constant 0 : i32
        %dma_wait3A_176 = tpu.memref_slice %arg6[%dma_wait3A_172, %dma_wait3A_173, %dma_wait3A_174, %dma_wait3A_175] : memref<2x56x8x128xf32, #tpu.memory_space<vmem>> -> memref<1x56x8x128xf32, #tpu.memory_space<vmem>>
        %dma_wait3A_177 = tpu.memref_squeeze %dma_wait3A_176 : memref<1x56x8x128xf32, #tpu.memory_space<vmem>> -> memref<56x8x128xf32, #tpu.memory_space<vmem>>
        %dma_wait3A_178 = arith.constant 0 : i32
        %dma_wait3A_179 = arith.constant 0 : i32
        %dma_wait3A_180 = arith.constant 0 : i32
        %dma_wait3A_181 = tpu.memref_slice %arg4[%sub3A_171, %dma_wait3A_178, %dma_wait3A_179, %dma_wait3A_180] : memref<256x56x8x128xf32, #tpu.memory_space<hbm>> -> memref<1x56x8x128xf32, #tpu.memory_space<hbm>>
        %dma_wait3A_182 = tpu.memref_squeeze %dma_wait3A_181 : memref<1x56x8x128xf32, #tpu.memory_space<hbm>> -> memref<56x8x128xf32, #tpu.memory_space<hbm>>
        %dma_wait3A_183 = arith.constant 0 : i32
        %dma_wait3A_184 = arith.constant 0 : i32
        %dma_wait3A_185 = arith.constant 0 : i32
        %dma_wait3A_186 = tpu.memref_slice %arg4[%sub3A_171, %dma_wait3A_183, %dma_wait3A_184, %dma_wait3A_185] : memref<256x56x8x128xf32, #tpu.memory_space<hbm>> -> memref<1x56x8x128xf32, #tpu.memory_space<hbm>>
        %dma_wait3A_187 = tpu.memref_squeeze %dma_wait3A_186 : memref<1x56x8x128xf32, #tpu.memory_space<hbm>> -> memref<56x8x128xf32, #tpu.memory_space<hbm>>
        %dma_wait3A_188 = arith.constant 0 : i32
        %dma_wait3A_189 = arith.constant 0 : i32
        %dma_wait3A_190 = arith.constant 0 : i32
        %dma_wait3A_191 = tpu.memref_slice %arg6[%dma_wait3A_172, %dma_wait3A_188, %dma_wait3A_189, %dma_wait3A_190] : memref<2x56x8x128xf32, #tpu.memory_space<vmem>> -> memref<1x56x8x128xf32, #tpu.memory_space<vmem>>
        %dma_wait3A_192 = tpu.memref_squeeze %dma_wait3A_191 : memref<1x56x8x128xf32, #tpu.memory_space<vmem>> -> memref<56x8x128xf32, #tpu.memory_space<vmem>>
        tpu.wait_dma2 semaphore(%arg9 : memref<!tpu.dma_semaphore, #tpu.memory_space<semaphore_mem>>) src(%dma_wait3A_192 : memref<56x8x128xf32, #tpu.memory_space<vmem>>) dst(%dma_wait3A_187 : memref<56x8x128xf32, #tpu.memory_space<hbm>>)
      } else {
      }
      %mul3A_123 = arith.constant 56 : i32
      %mul3A_124 = arith.muli %add3A_117, %mul3A_123 : i32
      %dma_start3A_125 = arith.constant 1 : i32
      %dma_start3A_126 = arith.constant 0 : i32
      %dma_start3A_127 = arith.constant 0 : i32
      %dma_start3A_128 = arith.constant 0 : i32
      %dma_start3A_129 = tpu.memref_slice %arg6[%dma_start3A_125, %dma_start3A_126, %dma_start3A_127, %dma_start3A_128] : memref<2x56x8x128xf32, #tpu.memory_space<vmem>> -> memref<1x56x8x128xf32, #tpu.memory_space<vmem>>
      %dma_start3A_130 = tpu.memref_squeeze %dma_start3A_129 : memref<1x56x8x128xf32, #tpu.memory_space<vmem>> -> memref<56x8x128xf32, #tpu.memory_space<vmem>>
      %dma_start3A_131 = tpu.memref_slice %arg5[%mul3A_124] : memref<448xi32, #tpu.memory_space<vmem>> -> memref<56xi32, #tpu.memory_space<vmem>>
      %dma_start3A_132 = arith.constant 0 : i32
      %dma_start3A_133 = arith.constant 0 : i32
      %dma_start3A_134 = arith.constant 0 : i32
      %dma_start3A_135 = tpu.memref_slice %arg2[%dma_start3A_132, %dma_start3A_133, %dma_start3A_134] : memref<1000x8x128xf32, #tpu.memory_space<hbm>> -> memref<1000x8x128xf32, #tpu.memory_space<hbm>>
      tpu.enqueue_indirect_dma source(%dma_start3A_135 : memref<1000x8x128xf32, #tpu.memory_space<hbm>>) target(%dma_start3A_130 : memref<56x8x128xf32, #tpu.memory_space<vmem>>) offsets(%dma_start3A_131 : memref<56xi32, #tpu.memory_space<vmem>>) semaphore(%arg7 : memref<!tpu.dma_semaphore, #tpu.memory_space<semaphore_mem>>)
      %dma_wait3A_136 = arith.constant 1 : i32
      %dma_wait3A_137 = arith.constant 0 : i32
      %dma_wait3A_138 = arith.constant 0 : i32
      %dma_wait3A_139 = arith.constant 0 : i32
      %dma_wait3A_140 = tpu.memref_slice %arg6[%dma_wait3A_136, %dma_wait3A_137, %dma_wait3A_138, %dma_wait3A_139] : memref<2x56x8x128xf32, #tpu.memory_space<vmem>> -> memref<1x56x8x128xf32, #tpu.memory_space<vmem>>
      %dma_wait3A_141 = tpu.memref_squeeze %dma_wait3A_140 : memref<1x56x8x128xf32, #tpu.memory_space<vmem>> -> memref<56x8x128xf32, #tpu.memory_space<vmem>>
      %dma_wait3A_142 = tpu.memref_slice %arg5[%mul3A_124] : memref<448xi32, #tpu.memory_space<vmem>> -> memref<56xi32, #tpu.memory_space<vmem>>
      %dma_wait3A_143 = arith.constant 0 : i32
      %dma_wait3A_144 = arith.constant 0 : i32
      %dma_wait3A_145 = arith.constant 0 : i32
      %dma_wait3A_146 = tpu.memref_slice %arg2[%dma_wait3A_143, %dma_wait3A_144, %dma_wait3A_145] : memref<1000x8x128xf32, #tpu.memory_space<hbm>> -> memref<1000x8x128xf32, #tpu.memory_space<hbm>>
      tpu.wait_indirect_dma semaphore(%arg7 : memref<!tpu.dma_semaphore, #tpu.memory_space<semaphore_mem>>) src(%dma_wait3A_146 : memref<1000x8x128xf32, #tpu.memory_space<hbm>>) dst(%dma_wait3A_141 : memref<56x8x128xf32, #tpu.memory_space<vmem>>)
      %add3A_147 = arith.addi %mul3A_2, %add3A_117 : i32
      %dma_start3A_148 = arith.constant 1 : i32
      %dma_start3A_149 = arith.constant 0 : i32
      %dma_start3A_150 = arith.constant 0 : i32
      %dma_start3A_151 = arith.constant 0 : i32
      %dma_start3A_152 = tpu.memref_slice %arg6[%dma_start3A_148, %dma_start3A_149, %dma_start3A_150, %dma_start3A_151] : memref<2x56x8x128xf32, #tpu.memory_space<vmem>> -> memref<1x56x8x128xf32, #tpu.memory_space<vmem>>
      %dma_start3A_153 = tpu.memref_squeeze %dma_start3A_152 : memref<1x56x8x128xf32, #tpu.memory_space<vmem>> -> memref<56x8x128xf32, #tpu.memory_space<vmem>>
      %dma_start3A_154 = arith.constant 0 : i32
      %dma_start3A_155 = arith.constant 0 : i32
      %dma_start3A_156 = arith.constant 0 : i32
      %dma_start3A_157 = tpu.memref_slice %arg4[%add3A_147, %dma_start3A_154, %dma_start3A_155, %dma_start3A_156] : memref<256x56x8x128xf32, #tpu.memory_space<hbm>> -> memref<1x56x8x128xf32, #tpu.memory_space<hbm>>
      %dma_start3A_158 = tpu.memref_squeeze %dma_start3A_157 : memref<1x56x8x128xf32, #tpu.memory_space<hbm>> -> memref<56x8x128xf32, #tpu.memory_space<hbm>>
      %dma_start3A_159 = arith.constant 0 : i32
      %dma_start3A_160 = arith.constant 0 : i32
      %dma_start3A_161 = arith.constant 0 : i32
      %dma_start3A_162 = tpu.memref_slice %arg4[%add3A_147, %dma_start3A_159, %dma_start3A_160, %dma_start3A_161] : memref<256x56x8x128xf32, #tpu.memory_space<hbm>> -> memref<1x56x8x128xf32, #tpu.memory_space<hbm>>
      %dma_start3A_163 = tpu.memref_squeeze %dma_start3A_162 : memref<1x56x8x128xf32, #tpu.memory_space<hbm>> -> memref<56x8x128xf32, #tpu.memory_space<hbm>>
      %dma_start3A_164 = arith.constant 0 : i32
      %dma_start3A_165 = arith.constant 0 : i32
      %dma_start3A_166 = arith.constant 0 : i32
      %dma_start3A_167 = tpu.memref_slice %arg6[%dma_start3A_148, %dma_start3A_164, %dma_start3A_165, %dma_start3A_166] : memref<2x56x8x128xf32, #tpu.memory_space<vmem>> -> memref<1x56x8x128xf32, #tpu.memory_space<vmem>>
      %dma_start3A_168 = tpu.memref_squeeze %dma_start3A_167 : memref<1x56x8x128xf32, #tpu.memory_space<vmem>> -> memref<56x8x128xf32, #tpu.memory_space<vmem>>
      tpu.enqueue_dma source(%dma_start3A_168 : memref<56x8x128xf32, #tpu.memory_space<vmem>>) target(%dma_start3A_163 : memref<56x8x128xf32, #tpu.memory_space<hbm>>) target_semaphore(%arg9 : memref<!tpu.dma_semaphore, #tpu.memory_space<semaphore_mem>>)
    }
    %scan3A_9 = arith.constant 4 : i32
    %add3A_10 = arith.constant 8 : i32
    %add3A_11 = arith.addi %mul3A_2, %add3A_10 : i32
    %sub3A = arith.constant 2 : i32
    %sub3A_12 = arith.subi %add3A_11, %sub3A : i32
    %add3A_13 = arith.constant 0 : i32
    %add3A_14 = arith.addi %sub3A_12, %add3A_13 : i32
    %dma_wait3A = arith.constant 0 : i32
    %dma_wait3A_15 = arith.constant 0 : i32
    %dma_wait3A_16 = arith.constant 0 : i32
    %dma_wait3A_17 = arith.constant 0 : i32
    %dma_wait3A_18 = tpu.memref_slice %arg6[%dma_wait3A, %dma_wait3A_15, %dma_wait3A_16, %dma_wait3A_17] : memref<2x56x8x128xf32, #tpu.memory_space<vmem>> -> memref<1x56x8x128xf32, #tpu.memory_space<vmem>>
    %dma_wait3A_19 = tpu.memref_squeeze %dma_wait3A_18 : memref<1x56x8x128xf32, #tpu.memory_space<vmem>> -> memref<56x8x128xf32, #tpu.memory_space<vmem>>
    %dma_wait3A_20 = arith.constant 0 : i32
    %dma_wait3A_21 = arith.constant 0 : i32
    %dma_wait3A_22 = arith.constant 0 : i32
    %dma_wait3A_23 = tpu.memref_slice %arg4[%add3A_14, %dma_wait3A_20, %dma_wait3A_21, %dma_wait3A_22] : memref<256x56x8x128xf32, #tpu.memory_space<hbm>> -> memref<1x56x8x128xf32, #tpu.memory_space<hbm>>
    %dma_wait3A_24 = tpu.memref_squeeze %dma_wait3A_23 : memref<1x56x8x128xf32, #tpu.memory_space<hbm>> -> memref<56x8x128xf32, #tpu.memory_space<hbm>>
    %dma_wait3A_25 = arith.constant 0 : i32
    %dma_wait3A_26 = arith.constant 0 : i32
    %dma_wait3A_27 = arith.constant 0 : i32
    %dma_wait3A_28 = tpu.memref_slice %arg4[%add3A_14, %dma_wait3A_25, %dma_wait3A_26, %dma_wait3A_27] : memref<256x56x8x128xf32, #tpu.memory_space<hbm>> -> memref<1x56x8x128xf32, #tpu.memory_space<hbm>>
    %dma_wait3A_29 = tpu.memref_squeeze %dma_wait3A_28 : memref<1x56x8x128xf32, #tpu.memory_space<hbm>> -> memref<56x8x128xf32, #tpu.memory_space<hbm>>
    %dma_wait3A_30 = arith.constant 0 : i32
    %dma_wait3A_31 = arith.constant 0 : i32
    %dma_wait3A_32 = arith.constant 0 : i32
    %dma_wait3A_33 = tpu.memref_slice %arg6[%dma_wait3A, %dma_wait3A_30, %dma_wait3A_31, %dma_wait3A_32] : memref<2x56x8x128xf32, #tpu.memory_space<vmem>> -> memref<1x56x8x128xf32, #tpu.memory_space<vmem>>
    %dma_wait3A_34 = tpu.memref_squeeze %dma_wait3A_33 : memref<1x56x8x128xf32, #tpu.memory_space<vmem>> -> memref<56x8x128xf32, #tpu.memory_space<vmem>>
    tpu.wait_dma2 semaphore(%arg8 : memref<!tpu.dma_semaphore, #tpu.memory_space<semaphore_mem>>) src(%dma_wait3A_34 : memref<56x8x128xf32, #tpu.memory_space<vmem>>) dst(%dma_wait3A_29 : memref<56x8x128xf32, #tpu.memory_space<hbm>>)
    %add3A_35 = arith.constant 8 : i32
    %add3A_36 = arith.addi %mul3A_2, %add3A_35 : i32
    %sub3A_37 = arith.constant 2 : i32
    %sub3A_38 = arith.subi %add3A_36, %sub3A_37 : i32
    %add3A_39 = arith.constant 1 : i32
    %add3A_40 = arith.addi %sub3A_38, %add3A_39 : i32
    %dma_wait3A_41 = arith.constant 1 : i32
    %dma_wait3A_42 = arith.constant 0 : i32
    %dma_wait3A_43 = arith.constant 0 : i32
    %dma_wait3A_44 = arith.constant 0 : i32
    %dma_wait3A_45 = tpu.memref_slice %arg6[%dma_wait3A_41, %dma_wait3A_42, %dma_wait3A_43, %dma_wait3A_44] : memref<2x56x8x128xf32, #tpu.memory_space<vmem>> -> memref<1x56x8x128xf32, #tpu.memory_space<vmem>>
    %dma_wait3A_46 = tpu.memref_squeeze %dma_wait3A_45 : memref<1x56x8x128xf32, #tpu.memory_space<vmem>> -> memref<56x8x128xf32, #tpu.memory_space<vmem>>
    %dma_wait3A_47 = arith.constant 0 : i32
    %dma_wait3A_48 = arith.constant 0 : i32
    %dma_wait3A_49 = arith.constant 0 : i32
    %dma_wait3A_50 = tpu.memref_slice %arg4[%add3A_40, %dma_wait3A_47, %dma_wait3A_48, %dma_wait3A_49] : memref<256x56x8x128xf32, #tpu.memory_space<hbm>> -> memref<1x56x8x128xf32, #tpu.memory_space<hbm>>
    %dma_wait3A_51 = tpu.memref_squeeze %dma_wait3A_50 : memref<1x56x8x128xf32, #tpu.memory_space<hbm>> -> memref<56x8x128xf32, #tpu.memory_space<hbm>>
    %dma_wait3A_52 = arith.constant 0 : i32
    %dma_wait3A_53 = arith.constant 0 : i32
    %dma_wait3A_54 = arith.constant 0 : i32
    %dma_wait3A_55 = tpu.memref_slice %arg4[%add3A_40, %dma_wait3A_52, %dma_wait3A_53, %dma_wait3A_54] : memref<256x56x8x128xf32, #tpu.memory_space<hbm>> -> memref<1x56x8x128xf32, #tpu.memory_space<hbm>>
    %dma_wait3A_56 = tpu.memref_squeeze %dma_wait3A_55 : memref<1x56x8x128xf32, #tpu.memory_space<hbm>> -> memref<56x8x128xf32, #tpu.memory_space<hbm>>
    %dma_wait3A_57 = arith.constant 0 : i32
    %dma_wait3A_58 = arith.constant 0 : i32
    %dma_wait3A_59 = arith.constant 0 : i32
    %dma_wait3A_60 = tpu.memref_slice %arg6[%dma_wait3A_41, %dma_wait3A_57, %dma_wait3A_58, %dma_wait3A_59] : memref<2x56x8x128xf32, #tpu.memory_space<vmem>> -> memref<1x56x8x128xf32, #tpu.memory_space<vmem>>
    %dma_wait3A_61 = tpu.memref_squeeze %dma_wait3A_60 : memref<1x56x8x128xf32, #tpu.memory_space<vmem>> -> memref<56x8x128xf32, #tpu.memory_space<vmem>>
    tpu.wait_dma2 semaphore(%arg9 : memref<!tpu.dma_semaphore, #tpu.memory_space<semaphore_mem>>) src(%dma_wait3A_61 : memref<56x8x128xf32, #tpu.memory_space<vmem>>) dst(%dma_wait3A_56 : memref<56x8x128xf32, #tpu.memory_space<hbm>>)
    return
  }
}

#map = affine_map<(d0, d1) -> (0, 0, 0)>
#map1 = affine_map<(d0, d1) -> (0)>
#map2 = affine_map<(d0, d1) -> (0, 0, 0, 0)>
module attributes {stable_mosaic.version = 14 : i64} {
  func.func @k(%arg0: i32, %arg1: i32, %arg2: memref<1000x8x128xf32, #tpu.memory_space<hbm>>, %arg3: memref<14336xi32, #tpu.memory_space<hbm>>, %arg4: memref<256x56x8x128xf32, #tpu.memory_space<hbm>>, %arg5: memref<448xi32, #tpu.memory_space<vmem>>, %arg6: memref<2x56x8x128xf32, #tpu.memory_space<vmem>>, %arg7: memref<!tpu.dma_semaphore, #tpu.memory_space<semaphore_mem>>, %arg8: memref<!tpu.dma_semaphore, #tpu.memory_space<semaphore_mem>>, %arg9: memref<!tpu.dma_semaphore, #tpu.memory_space<semaphore_mem>>) attributes {dimension_semantics = [#tpu.dimension_semantics<core_parallel>, #tpu.dimension_semantics<subcore_parallel>], iteration_bounds = array<i64: 2, 16>, scalar_prefetch = 0 : i64, scratch_operands = 5 : i64, tpu.core_type = #tpu.core_type<sc_vector_subcore>, window_params = [{transform_indices = #map}, {transform_indices = #map1}, {transform_indices = #map2}]} {
    %mul3A = arith.constant 2 : i32
    %mul3A_0 = arith.muli %arg1, %mul3A : i32
    %add3A = arith.addi %mul3A_0, %arg0 : i32
    %mul3A_1 = arith.constant 8 : i32
    %mul3A_2 = arith.muli %add3A, %mul3A_1 : i32
    %mul3A_3 = arith.constant 56 : i32
    %mul3A_4 = arith.muli %mul3A_2, %mul3A_3 : i32
    "tpu.region"() ({
      %run_scoped3A = tpu.sem_alloc : memref<!tpu.dma_semaphore, #tpu.memory_space<semaphore_mem>>
      %dma_start3A = tpu.memref_slice %arg3[%mul3A_4] : memref<14336xi32, #tpu.memory_space<hbm>> -> memref<448xi32, #tpu.memory_space<hbm>>
      %dma_start3A_62 = tpu.memref_slice %arg3[%mul3A_4] : memref<14336xi32, #tpu.memory_space<hbm>> -> memref<448xi32, #tpu.memory_space<hbm>>
      tpu.enqueue_dma source(%dma_start3A_62 : memref<448xi32, #tpu.memory_space<hbm>>) target(%arg5 : memref<448xi32, #tpu.memory_space<vmem>>) target_semaphore(%run_scoped3A : memref<!tpu.dma_semaphore, #tpu.memory_space<semaphore_mem>>)
      %dma_wait3A_63 = tpu.memref_slice %arg3[%mul3A_4] : memref<14336xi32, #tpu.memory_space<hbm>> -> memref<448xi32, #tpu.memory_space<hbm>>
      %dma_wait3A_64 = tpu.memref_slice %arg3[%mul3A_4] : memref<14336xi32, #tpu.memory_space<hbm>> -> memref<448xi32, #tpu.memory_space<hbm>>
      tpu.wait_dma2 semaphore(%run_scoped3A : memref<!tpu.dma_semaphore, #tpu.memory_space<semaphore_mem>>) src(%dma_wait3A_64 : memref<448xi32, #tpu.memory_space<hbm>>) dst(%arg5 : memref<448xi32, #tpu.memory_space<vmem>>)
      tpu.yield
    }) : () -> ()
    %scan3A = arith.constant 0 : i32
    %scan3A_5 = arith.constant 0 : i32
    %scan3A_6 = arith.constant 4 : i32
    %scan3A_7 = arith.addi %scan3A_5, %scan3A_6 : i32
    %scan3A_8 = arith.constant 1 : i32
    scf.for %scan3A_62 = %scan3A_5 to %scan3A_7 step %scan3A_8  : i32 {
      %mul3A_63 = arith.constant 2 : i32
      %mul3A_64 = arith.muli %mul3A_63, %scan3A_62 : i32
      %add3A_65 = arith.constant 0 : i32
      %add3A_66 = arith.addi %mul3A_64, %add3A_65 : i32
      %ge3A = arith.constant 1 : i32
      %ge3A_67 = arith.cmpi sge, %scan3A_62, %ge3A : i32
      %convert_element_type3A = arith.extui %ge3A_67 : i1 to i32
      %cond3A = arith.constant 0 : i32
      %cond3A_68 = arith.cmpi ne, %convert_element_type3A, %cond3A : i32
      scf.if %cond3A_68 {
        %add3A_169 = arith.addi %mul3A_2, %add3A_66 : i32
        %sub3A_170 = arith.constant 2 : i32
        %sub3A_171 = arith.subi %add3A_169, %sub3A_170 : i32
        %dma_wait3A_172 = arith.constant 0 : i32
        %dma_wait3A_173 = arith.constant 0 : i32
        %dma_wait3A_174 = arith.constant 0 : i32
        %dma_wait3A_175 = arith.constant 0 : i32
        %dma_wait3A_176 = tpu.memref_slice %arg6[%dma_wait3A_172, %dma_wait3A_173, %dma_wait3A_174, %dma_wait3A_175] : memref<2x56x8x128xf32, #tpu.memory_space<vmem>> -> memref<1x56x8x128xf32, #tpu.memory_space<vmem>>
        %dma_wait3A_177 = tpu.memref_squeeze %dma_wait3A_176 : memref<1x56x8x128xf32, #tpu.memory_space<vmem>> -> memref<56x8x128xf32, #tpu.memory_space<vmem>>
        %dma_wait3A_178 = arith.constant 0 : i32
        %dma_wait3A_179 = arith.constant 0 : i32
        %dma_wait3A_180 = arith.constant 0 : i32
        %dma_wait3A_181 = tpu.memref_slice %arg4[%sub3A_171, %dma_wait3A_178, %dma_wait3A_179, %dma_wait3A_180] : memref<256x56x8x128xf32, #tpu.memory_space<hbm>> -> memref<1x56x8x128xf32, #tpu.memory_space<hbm>>
        %dma_wait3A_182 = tpu.memref_squeeze %dma_wait3A_181 : memref<1x56x8x128xf32, #tpu.memory_space<hbm>> -> memref<56x8x128xf32, #tpu.memory_space<hbm>>
        %dma_wait3A_183 = arith.constant 0 : i32
        %dma_wait3A_184 = arith.constant 0 : i32
        %dma_wait3A_185 = arith.constant 0 : i32
        %dma_wait3A_186 = tpu.memref_slice %arg4[%sub3A_171, %dma_wait3A_183, %dma_wait3A_184, %dma_wait3A_185] : memref<256x56x8x128xf32, #tpu.memory_space<hbm>> -> memref<1x56x8x128xf32, #tpu.memory_space<hbm>>
        %dma_wait3A_187 = tpu.memref_squeeze %dma_wait3A_186 : memref<1x56x8x128xf32, #tpu.memory_space<hbm>> -> memref<56x8x128xf32, #tpu.memory_space<hbm>>
        %dma_wait3A_188 = arith.constant 0 : i32
        %dma_wait3A_189 = arith.constant 0 : i32
        %dma_wait3A_190 = arith.constant 0 : i32
        %dma_wait3A_191 = tpu.memref_slice %arg6[%dma_wait3A_172, %dma_wait3A_188, %dma_wait3A_189, %dma_wait3A_190] : memref<2x56x8x128xf32, #tpu.memory_space<vmem>> -> memref<1x56x8x128xf32, #tpu.memory_space<vmem>>
        %dma_wait3A_192 = tpu.memref_squeeze %dma_wait3A_191 : memref<1x56x8x128xf32, #tpu.memory_space<vmem>> -> memref<56x8x128xf32, #tpu.memory_space<vmem>>
        tpu.wait_dma2 semaphore(%arg8 : memref<!tpu.dma_semaphore, #tpu.memory_space<semaphore_mem>>) src(%dma_wait3A_192 : memref<56x8x128xf32, #tpu.memory_space<vmem>>) dst(%dma_wait3A_187 : memref<56x8x128xf32, #tpu.memory_space<hbm>>)
      } else {
      }
      %mul3A_69 = arith.constant 56 : i32
      %mul3A_70 = arith.muli %add3A_66, %mul3A_69 : i32
      %dma_start3A = arith.constant 0 : i32
      %dma_start3A_71 = arith.constant 0 : i32
      %dma_start3A_72 = arith.constant 0 : i32
      %dma_start3A_73 = arith.constant 0 : i32
      %dma_start3A_74 = tpu.memref_slice %arg6[%dma_start3A, %dma_start3A_71, %dma_start3A_72, %dma_start3A_73] : memref<2x56x8x128xf32, #tpu.memory_space<vmem>> -> memref<1x56x8x128xf32, #tpu.memory_space<vmem>>
      %dma_start3A_75 = tpu.memref_squeeze %dma_start3A_74 : memref<1x56x8x128xf32, #tpu.memory_space<vmem>> -> memref<56x8x128xf32, #tpu.memory_space<vmem>>
      %dma_start3A_76 = tpu.memref_slice %arg5[%mul3A_70] : memref<448xi32, #tpu.memory_space<vmem>> -> memref<56xi32, #tpu.memory_space<vmem>>
      %dma_start3A_77 = arith.constant 0 : i32
      %dma_start3A_78 = arith.constant 0 : i32
      %dma_start3A_79 = arith.constant 0 : i32
      %dma_start3A_80 = tpu.memref_slice %arg2[%dma_start3A_77, %dma_start3A_78, %dma_start3A_79] : memref<1000x8x128xf32, #tpu.memory_space<hbm>> -> memref<1000x8x128xf32, #tpu.memory_space<hbm>>
      tpu.enqueue_indirect_dma source(%dma_start3A_80 : memref<1000x8x128xf32, #tpu.memory_space<hbm>>) target(%dma_start3A_75 : memref<56x8x128xf32, #tpu.memory_space<vmem>>) offsets(%dma_start3A_76 : memref<56xi32, #tpu.memory_space<vmem>>) semaphore(%arg7 : memref<!tpu.dma_semaphore, #tpu.memory_space<semaphore_mem>>)
      %dma_wait3A_81 = arith.constant 0 : i32
      %dma_wait3A_82 = arith.constant 0 : i32
      %dma_wait3A_83 = arith.constant 0 : i32
      %dma_wait3A_84 = arith.constant 0 : i32
      %dma_wait3A_85 = tpu.memref_slice %arg6[%dma_wait3A_81, %dma_wait3A_82, %dma_wait3A_83, %dma_wait3A_84] : memref<2x56x8x128xf32, #tpu.memory_space<vmem>> -> memref<1x56x8x128xf32, #tpu.memory_space<vmem>>
      %dma_wait3A_86 = tpu.memref_squeeze %dma_wait3A_85 : memref<1x56x8x128xf32, #tpu.memory_space<vmem>> -> memref<56x8x128xf32, #tpu.memory_space<vmem>>
      %dma_wait3A_87 = tpu.memref_slice %arg5[%mul3A_70] : memref<448xi32, #tpu.memory_space<vmem>> -> memref<56xi32, #tpu.memory_space<vmem>>
      %dma_wait3A_88 = arith.constant 0 : i32
      %dma_wait3A_89 = arith.constant 0 : i32
      %dma_wait3A_90 = arith.constant 0 : i32
      %dma_wait3A_91 = tpu.memref_slice %arg2[%dma_wait3A_88, %dma_wait3A_89, %dma_wait3A_90] : memref<1000x8x128xf32, #tpu.memory_space<hbm>> -> memref<1000x8x128xf32, #tpu.memory_space<hbm>>
      tpu.wait_indirect_dma semaphore(%arg7 : memref<!tpu.dma_semaphore, #tpu.memory_space<semaphore_mem>>) src(%dma_wait3A_91 : memref<1000x8x128xf32, #tpu.memory_space<hbm>>) dst(%dma_wait3A_86 : memref<56x8x128xf32, #tpu.memory_space<vmem>>)
      %add3A_92 = arith.addi %mul3A_2, %add3A_66 : i32
      %dma_start3A_93 = arith.constant 0 : i32
      %dma_start3A_94 = arith.constant 0 : i32
      %dma_start3A_95 = arith.constant 0 : i32
      %dma_start3A_96 = arith.constant 0 : i32
      %dma_start3A_97 = tpu.memref_slice %arg6[%dma_start3A_93, %dma_start3A_94, %dma_start3A_95, %dma_start3A_96] : memref<2x56x8x128xf32, #tpu.memory_space<vmem>> -> memref<1x56x8x128xf32, #tpu.memory_space<vmem>>
      %dma_start3A_98 = tpu.memref_squeeze %dma_start3A_97 : memref<1x56x8x128xf32, #tpu.memory_space<vmem>> -> memref<56x8x128xf32, #tpu.memory_space<vmem>>
      %dma_start3A_99 = arith.constant 0 : i32
      %dma_start3A_100 = arith.constant 0 : i32
      %dma_start3A_101 = arith.constant 0 : i32
      %dma_start3A_102 = tpu.memref_slice %arg4[%add3A_92, %dma_start3A_99, %dma_start3A_100, %dma_start3A_101] : memref<256x56x8x128xf32, #tpu.memory_space<hbm>> -> memref<1x56x8x128xf32, #tpu.memory_space<hbm>>
      %dma_start3A_103 = tpu.memref_squeeze %dma_start3A_102 : memref<1x56x8x128xf32, #tpu.memory_space<hbm>> -> memref<56x8x128xf32, #tpu.memory_space<hbm>>
      %dma_start3A_104 = arith.constant 0 : i32
      %dma_start3A_105 = arith.constant 0 : i32
      %dma_start3A_106 = arith.constant 0 : i32
      %dma_start3A_107 = tpu.memref_slice %arg4[%add3A_92, %dma_start3A_104, %dma_start3A_105, %dma_start3A_106] : memref<256x56x8x128xf32, #tpu.memory_space<hbm>> -> memref<1x56x8x128xf32, #tpu.memory_space<hbm>>
      %dma_start3A_108 = tpu.memref_squeeze %dma_start3A_107 : memref<1x56x8x128xf32, #tpu.memory_space<hbm>> -> memref<56x8x128xf32, #tpu.memory_space<hbm>>
      %dma_start3A_109 = arith.constant 0 : i32
      %dma_start3A_110 = arith.constant 0 : i32
      %dma_start3A_111 = arith.constant 0 : i32
      %dma_start3A_112 = tpu.memref_slice %arg6[%dma_start3A_93, %dma_start3A_109, %dma_start3A_110, %dma_start3A_111] : memref<2x56x8x128xf32, #tpu.memory_space<vmem>> -> memref<1x56x8x128xf32, #tpu.memory_space<vmem>>
      %dma_start3A_113 = tpu.memref_squeeze %dma_start3A_112 : memref<1x56x8x128xf32, #tpu.memory_space<vmem>> -> memref<56x8x128xf32, #tpu.memory_space<vmem>>
      tpu.enqueue_dma source(%dma_start3A_113 : memref<56x8x128xf32, #tpu.memory_space<vmem>>) target(%dma_start3A_108 : memref<56x8x128xf32, #tpu.memory_space<hbm>>) target_semaphore(%arg8 : memref<!tpu.dma_semaphore, #tpu.memory_space<semaphore_mem>>)
      %mul3A_114 = arith.constant 2 : i32
      %mul3A_115 = arith.muli %mul3A_114, %scan3A_62 : i32
      %add3A_116 = arith.constant 1 : i32
      %add3A_117 = arith.addi %mul3A_115, %add3A_116 : i32
      %ge3A_118 = arith.constant 1 : i32
      %ge3A_119 = arith.cmpi sge, %scan3A_62, %ge3A_118 : i32
      %convert_element_type3A_120 = arith.extui %ge3A_119 : i1 to i32
      %cond3A_121 = arith.constant 0 : i32
      %cond3A_122 = arith.cmpi ne, %convert_element_type3A_120, %cond3A_121 : i32
      scf.if %cond3A_122 {
        %add3A_169 = arith.addi %mul3A_2, %add3A_117 : i32
        %sub3A_170 = arith.constant 2 : i32
        %sub3A_171 = arith.subi %add3A_169, %sub3A_170 : i32
        %dma_wait3A_172 = arith.constant 1 : i32
        %dma_wait3A_173 = arith.constant 0 : i32
        %dma_wait3A_174 = arith.constant 0 : i32
        %dma_wait3A_175 = arith.constant 0 : i32
        %dma_wait3A_176 = tpu.memref_slice %arg6[%dma_wait3A_172, %dma_wait3A_173, %dma_wait3A_174, %dma_wait3A_175] : memref<2x56x8x128xf32, #tpu.memory_space<vmem>> -> memref<1x56x8x128xf32, #tpu.memory_space<vmem>>
        %dma_wait3A_177 = tpu.memref_squeeze %dma_wait3A_176 : memref<1x56x8x128xf32, #tpu.memory_space<vmem>> -> memref<56x8x128xf32, #tpu.memory_space<vmem>>
        %dma_wait3A_178 = arith.constant 0 : i32
        %dma_wait3A_179 = arith.constant 0 : i32
        %dma_wait3A_180 = arith.constant 0 : i32
        %dma_wait3A_181 = tpu.memref_slice %arg4[%sub3A_171, %dma_wait3A_178, %dma_wait3A_179, %dma_wait3A_180] : memref<256x56x8x128xf32, #tpu.memory_space<hbm>> -> memref<1x56x8x128xf32, #tpu.memory_space<hbm>>
        %dma_wait3A_182 = tpu.memref_squeeze %dma_wait3A_181 : memref<1x56x8x128xf32, #tpu.memory_space<hbm>> -> memref<56x8x128xf32, #tpu.memory_space<hbm>>
        %dma_wait3A_183 = arith.constant 0 : i32
        %dma_wait3A_184 = arith.constant 0 : i32
        %dma_wait3A_185 = arith.constant 0 : i32
        %dma_wait3A_186 = tpu.memref_slice %arg4[%sub3A_171, %dma_wait3A_183, %dma_wait3A_184, %dma_wait3A_185] : memref<256x56x8x128xf32, #tpu.memory_space<hbm>> -> memref<1x56x8x128xf32, #tpu.memory_space<hbm>>
        %dma_wait3A_187 = tpu.memref_squeeze %dma_wait3A_186 : memref<1x56x8x128xf32, #tpu.memory_space<hbm>> -> memref<56x8x128xf32, #tpu.memory_space<hbm>>
        %dma_wait3A_188 = arith.constant 0 : i32
        %dma_wait3A_189 = arith.constant 0 : i32
        %dma_wait3A_190 = arith.constant 0 : i32
        %dma_wait3A_191 = tpu.memref_slice %arg6[%dma_wait3A_172, %dma_wait3A_188, %dma_wait3A_189, %dma_wait3A_190] : memref<2x56x8x128xf32, #tpu.memory_space<vmem>> -> memref<1x56x8x128xf32, #tpu.memory_space<vmem>>
        %dma_wait3A_192 = tpu.memref_squeeze %dma_wait3A_191 : memref<1x56x8x128xf32, #tpu.memory_space<vmem>> -> memref<56x8x128xf32, #tpu.memory_space<vmem>>
        tpu.wait_dma2 semaphore(%arg9 : memref<!tpu.dma_semaphore, #tpu.memory_space<semaphore_mem>>) src(%dma_wait3A_192 : memref<56x8x128xf32, #tpu.memory_space<vmem>>) dst(%dma_wait3A_187 : memref<56x8x128xf32, #tpu.memory_space<hbm>>)
      } else {
      }
      %mul3A_123 = arith.constant 56 : i32
      %mul3A_124 = arith.muli %add3A_117, %mul3A_123 : i32
      %dma_start3A_125 = arith.constant 1 : i32
      %dma_start3A_126 = arith.constant 0 : i32
      %dma_start3A_127 = arith.constant 0 : i32
      %dma_start3A_128 = arith.constant 0 : i32
      %dma_start3A_129 = tpu.memref_slice %arg6[%dma_start3A_125, %dma_start3A_126, %dma_start3A_127, %dma_start3A_128] : memref<2x56x8x128xf32, #tpu.memory_space<vmem>> -> memref<1x56x8x128xf32, #tpu.memory_space<vmem>>
      %dma_start3A_130 = tpu.memref_squeeze %dma_start3A_129 : memref<1x56x8x128xf32, #tpu.memory_space<vmem>> -> memref<56x8x128xf32, #tpu.memory_space<vmem>>
      %dma_start3A_131 = tpu.memref_slice %arg5[%mul3A_124] : memref<448xi32, #tpu.memory_space<vmem>> -> memref<56xi32, #tpu.memory_space<vmem>>
      %dma_start3A_132 = arith.constant 0 : i32
      %dma_start3A_133 = arith.constant 0 : i32
      %dma_start3A_134 = arith.constant 0 : i32
      %dma_start3A_135 = tpu.memref_slice %arg2[%dma_start3A_132, %dma_start3A_133, %dma_start3A_134] : memref<1000x8x128xf32, #tpu.memory_space<hbm>> -> memref<1000x8x128xf32, #tpu.memory_space<hbm>>
      tpu.enqueue_indirect_dma source(%dma_start3A_135 : memref<1000x8x128xf32, #tpu.memory_space<hbm>>) target(%dma_start3A_130 : memref<56x8x128xf32, #tpu.memory_space<vmem>>) offsets(%dma_start3A_131 : memref<56xi32, #tpu.memory_space<vmem>>) semaphore(%arg7 : memref<!tpu.dma_semaphore, #tpu.memory_space<semaphore_mem>>)
      %dma_wait3A_136 = arith.constant 1 : i32
      %dma_wait3A_137 = arith.constant 0 : i32
      %dma_wait3A_138 = arith.constant 0 : i32
      %dma_wait3A_139 = arith.constant 0 : i32
      %dma_wait3A_140 = tpu.memref_slice %arg6[%dma_wait3A_136, %dma_wait3A_137, %dma_wait3A_138, %dma_wait3A_139] : memref<2x56x8x128xf32, #tpu.memory_space<vmem>> -> memref<1x56x8x128xf32, #tpu.memory_space<vmem>>
      %dma_wait3A_141 = tpu.memref_squeeze %dma_wait3A_140 : memref<1x56x8x128xf32, #tpu.memory_space<vmem>> -> memref<56x8x128xf32, #tpu.memory_space<vmem>>
      %dma_wait3A_142 = tpu.memref_slice %arg5[%mul3A_124] : memref<448xi32, #tpu.memory_space<vmem>> -> memref<56xi32, #tpu.memory_space<vmem>>
      %dma_wait3A_143 = arith.constant 0 : i32
      %dma_wait3A_144 = arith.constant 0 : i32
      %dma_wait3A_145 = arith.constant 0 : i32
      %dma_wait3A_146 = tpu.memref_slice %arg2[%dma_wait3A_143, %dma_wait3A_144, %dma_wait3A_145] : memref<1000x8x128xf32, #tpu.memory_space<hbm>> -> memref<1000x8x128xf32, #tpu.memory_space<hbm>>
      tpu.wait_indirect_dma semaphore(%arg7 : memref<!tpu.dma_semaphore, #tpu.memory_space<semaphore_mem>>) src(%dma_wait3A_146 : memref<1000x8x128xf32, #tpu.memory_space<hbm>>) dst(%dma_wait3A_141 : memref<56x8x128xf32, #tpu.memory_space<vmem>>)
      %add3A_147 = arith.addi %mul3A_2, %add3A_117 : i32
      %dma_start3A_148 = arith.constant 1 : i32
      %dma_start3A_149 = arith.constant 0 : i32
      %dma_start3A_150 = arith.constant 0 : i32
      %dma_start3A_151 = arith.constant 0 : i32
      %dma_start3A_152 = tpu.memref_slice %arg6[%dma_start3A_148, %dma_start3A_149, %dma_start3A_150, %dma_start3A_151] : memref<2x56x8x128xf32, #tpu.memory_space<vmem>> -> memref<1x56x8x128xf32, #tpu.memory_space<vmem>>
      %dma_start3A_153 = tpu.memref_squeeze %dma_start3A_152 : memref<1x56x8x128xf32, #tpu.memory_space<vmem>> -> memref<56x8x128xf32, #tpu.memory_space<vmem>>
      %dma_start3A_154 = arith.constant 0 : i32
      %dma_start3A_155 = arith.constant 0 : i32
      %dma_start3A_156 = arith.constant 0 : i32
      %dma_start3A_157 = tpu.memref_slice %arg4[%add3A_147, %dma_start3A_154, %dma_start3A_155, %dma_start3A_156] : memref<256x56x8x128xf32, #tpu.memory_space<hbm>> -> memref<1x56x8x128xf32, #tpu.memory_space<hbm>>
      %dma_start3A_158 = tpu.memref_squeeze %dma_start3A_157 : memref<1x56x8x128xf32, #tpu.memory_space<hbm>> -> memref<56x8x128xf32, #tpu.memory_space<hbm>>
      %dma_start3A_159 = arith.constant 0 : i32
      %dma_start3A_160 = arith.constant 0 : i32
      %dma_start3A_161 = arith.constant 0 : i32
      %dma_start3A_162 = tpu.memref_slice %arg4[%add3A_147, %dma_start3A_159, %dma_start3A_160, %dma_start3A_161] : memref<256x56x8x128xf32, #tpu.memory_space<hbm>> -> memref<1x56x8x128xf32, #tpu.memory_space<hbm>>
      %dma_start3A_163 = tpu.memref_squeeze %dma_start3A_162 : memref<1x56x8x128xf32, #tpu.memory_space<hbm>> -> memref<56x8x128xf32, #tpu.memory_space<hbm>>
      %dma_start3A_164 = arith.constant 0 : i32
      %dma_start3A_165 = arith.constant 0 : i32
      %dma_start3A_166 = arith.constant 0 : i32
      %dma_start3A_167 = tpu.memref_slice %arg6[%dma_start3A_148, %dma_start3A_164, %dma_start3A_165, %dma_start3A_166] : memref<2x56x8x128xf32, #tpu.memory_space<vmem>> -> memref<1x56x8x128xf32, #tpu.memory_space<vmem>>
      %dma_start3A_168 = tpu.memref_squeeze %dma_start3A_167 : memref<1x56x8x128xf32, #tpu.memory_space<vmem>> -> memref<56x8x128xf32, #tpu.memory_space<vmem>>
      tpu.enqueue_dma source(%dma_start3A_168 : memref<56x8x128xf32, #tpu.memory_space<vmem>>) target(%dma_start3A_163 : memref<56x8x128xf32, #tpu.memory_space<hbm>>) target_semaphore(%arg9 : memref<!tpu.dma_semaphore, #tpu.memory_space<semaphore_mem>>)
    }
    %scan3A_9 = arith.constant 4 : i32
    %add3A_10 = arith.constant 8 : i32
    %add3A_11 = arith.addi %mul3A_2, %add3A_10 : i32
    %sub3A = arith.constant 2 : i32
    %sub3A_12 = arith.subi %add3A_11, %sub3A : i32
    %add3A_13 = arith.constant 0 : i32
    %add3A_14 = arith.addi %sub3A_12, %add3A_13 : i32
    %dma_wait3A = arith.constant 0 : i32
    %dma_wait3A_15 = arith.constant 0 : i32
    %dma_wait3A_16 = arith.constant 0 : i32
    %dma_wait3A_17 = arith.constant 0 : i32
    %dma_wait3A_18 = tpu.memref_slice %arg6[%dma_wait3A, %dma_wait3A_15, %dma_wait3A_16, %dma_wait3A_17] : memref<2x56x8x128xf32, #tpu.memory_space<vmem>> -> memref<1x56x8x128xf32, #tpu.memory_space<vmem>>
    %dma_wait3A_19 = tpu.memref_squeeze %dma_wait3A_18 : memref<1x56x8x128xf32, #tpu.memory_space<vmem>> -> memref<56x8x128xf32, #tpu.memory_space<vmem>>
    %dma_wait3A_20 = arith.constant 0 : i32
    %dma_wait3A_21 = arith.constant 0 : i32
    %dma_wait3A_22 = arith.constant 0 : i32
    %dma_wait3A_23 = tpu.memref_slice %arg4[%add3A_14, %dma_wait3A_20, %dma_wait3A_21, %dma_wait3A_22] : memref<256x56x8x128xf32, #tpu.memory_space<hbm>> -> memref<1x56x8x128xf32, #tpu.memory_space<hbm>>
    %dma_wait3A_24 = tpu.memref_squeeze %dma_wait3A_23 : memref<1x56x8x128xf32, #tpu.memory_space<hbm>> -> memref<56x8x128xf32, #tpu.memory_space<hbm>>
    %dma_wait3A_25 = arith.constant 0 : i32
    %dma_wait3A_26 = arith.constant 0 : i32
    %dma_wait3A_27 = arith.constant 0 : i32
    %dma_wait3A_28 = tpu.memref_slice %arg4[%add3A_14, %dma_wait3A_25, %dma_wait3A_26, %dma_wait3A_27] : memref<256x56x8x128xf32, #tpu.memory_space<hbm>> -> memref<1x56x8x128xf32, #tpu.memory_space<hbm>>
    %dma_wait3A_29 = tpu.memref_squeeze %dma_wait3A_28 : memref<1x56x8x128xf32, #tpu.memory_space<hbm>> -> memref<56x8x128xf32, #tpu.memory_space<hbm>>
    %dma_wait3A_30 = arith.constant 0 : i32
    %dma_wait3A_31 = arith.constant 0 : i32
    %dma_wait3A_32 = arith.constant 0 : i32
    %dma_wait3A_33 = tpu.memref_slice %arg6[%dma_wait3A, %dma_wait3A_30, %dma_wait3A_31, %dma_wait3A_32] : memref<2x56x8x128xf32, #tpu.memory_space<vmem>> -> memref<1x56x8x128xf32, #tpu.memory_space<vmem>>
    %dma_wait3A_34 = tpu.memref_squeeze %dma_wait3A_33 : memref<1x56x8x128xf32, #tpu.memory_space<vmem>> -> memref<56x8x128xf32, #tpu.memory_space<vmem>>
    tpu.wait_dma2 semaphore(%arg8 : memref<!tpu.dma_semaphore, #tpu.memory_space<semaphore_mem>>) src(%dma_wait3A_34 : memref<56x8x128xf32, #tpu.memory_space<vmem>>) dst(%dma_wait3A_29 : memref<56x8x128xf32, #tpu.memory_space<hbm>>)
    %add3A_35 = arith.constant 8 : i32
    %add3A_36 = arith.addi %mul3A_2, %add3A_35 : i32
    %sub3A_37 = arith.constant 2 : i32
    %sub3A_38 = arith.subi %add3A_36, %sub3A_37 : i32
    %add3A_39 = arith.constant 1 : i32
    %add3A_40 = arith.addi %sub3A_38, %add3A_39 : i32
    %dma_wait3A_41 = arith.constant 1 : i32
    %dma_wait3A_42 = arith.constant 0 : i32
    %dma_wait3A_43 = arith.constant 0 : i32
    %dma_wait3A_44 = arith.constant 0 : i32
    %dma_wait3A_45 = tpu.memref_slice %arg6[%dma_wait3A_41, %dma_wait3A_42, %dma_wait3A_43, %dma_wait3A_44] : memref<2x56x8x128xf32, #tpu.memory_space<vmem>> -> memref<1x56x8x128xf32, #tpu.memory_space<vmem>>
    %dma_wait3A_46 = tpu.memref_squeeze %dma_wait3A_45 : memref<1x56x8x128xf32, #tpu.memory_space<vmem>> -> memref<56x8x128xf32, #tpu.memory_space<vmem>>
    %dma_wait3A_47 = arith.constant 0 : i32
    %dma_wait3A_48 = arith.constant 0 : i32
    %dma_wait3A_49 = arith.constant 0 : i32
    %dma_wait3A_50 = tpu.memref_slice %arg4[%add3A_40, %dma_wait3A_47, %dma_wait3A_48, %dma_wait3A_49] : memref<256x56x8x128xf32, #tpu.memory_space<hbm>> -> memref<1x56x8x128xf32, #tpu.memory_space<hbm>>
    %dma_wait3A_51 = tpu.memref_squeeze %dma_wait3A_50 : memref<1x56x8x128xf32, #tpu.memory_space<hbm>> -> memref<56x8x128xf32, #tpu.memory_space<hbm>>
    %dma_wait3A_52 = arith.constant 0 : i32
    %dma_wait3A_53 = arith.constant 0 : i32
    %dma_wait3A_54 = arith.constant 0 : i32
    %dma_wait3A_55 = tpu.memref_slice %arg4[%add3A_40, %dma_wait3A_52, %dma_wait3A_53, %dma_wait3A_54] : memref<256x56x8x128xf32, #tpu.memory_space<hbm>> -> memref<1x56x8x128xf32, #tpu.memory_space<hbm>>
    %dma_wait3A_56 = tpu.memref_squeeze %dma_wait3A_55 : memref<1x56x8x128xf32, #tpu.memory_space<hbm>> -> memref<56x8x128xf32, #tpu.memory_space<hbm>>
    %dma_wait3A_57 = arith.constant 0 : i32
    %dma_wait3A_58 = arith.constant 0 : i32
    %dma_wait3A_59 = arith.constant 0 : i32
    %dma_wait3A_60 = tpu.memref_slice %arg6[%dma_wait3A_41, %dma_wait3A_57, %dma_wait3A_58, %dma_wait3A_59] : memref<2x56x8x128xf32, #tpu.memory_space<vmem>> -> memref<1x56x8x128xf32, #tpu.memory_space<vmem>>
    %dma_wait3A_61 = tpu.memref_squeeze %dma_wait3A_60 : memref<1x56x8x128xf32, #tpu.memory_space<vmem>> -> memref<56x8x128xf32, #tpu.memory_space<vmem>>
    tpu.wait_dma2 semaphore(%arg9 : memref<!tpu.dma_semaphore, #tpu.memory_space<semaphore_mem>>) src(%dma_wait3A_61 : memref<56x8x128xf32, #tpu.memory_space<vmem>>) dst(%dma_wait3A_56 : memref<56x8x128xf32, #tpu.memory_space<hbm>>)
    return
  }
}

#map = affine_map<(d0, d1) -> (0, 0, 0)>
#map1 = affine_map<(d0, d1) -> (0)>
#map2 = affine_map<(d0, d1) -> (0, 0, 0, 0)>
module attributes {stable_mosaic.version = 14 : i64} {
  func.func @k(%arg0: i32, %arg1: i32, %arg2: memref<1000x8x128xf32, #tpu.memory_space<hbm>>, %arg3: memref<14336xi32, #tpu.memory_space<hbm>>, %arg4: memref<256x56x8x128xf32, #tpu.memory_space<hbm>>, %arg5: memref<448xi32, #tpu.memory_space<vmem>>, %arg6: memref<2x56x8x128xf32, #tpu.memory_space<vmem>>, %arg7: memref<!tpu.dma_semaphore, #tpu.memory_space<semaphore_mem>>, %arg8: memref<!tpu.dma_semaphore, #tpu.memory_space<semaphore_mem>>, %arg9: memref<!tpu.dma_semaphore, #tpu.memory_space<semaphore_mem>>) attributes {dimension_semantics = [#tpu.dimension_semantics<core_parallel>, #tpu.dimension_semantics<subcore_parallel>], iteration_bounds = array<i64: 2, 16>, scalar_prefetch = 0 : i64, scratch_operands = 5 : i64, tpu.core_type = #tpu.core_type<sc_vector_subcore>, window_params = [{transform_indices = #map}, {transform_indices = #map1}, {transform_indices = #map2}]} {
    %mul3A = arith.constant 2 : i32
    %mul3A_0 = arith.muli %arg1, %mul3A : i32
    %add3A = arith.addi %mul3A_0, %arg0 : i32
    %mul3A_1 = arith.constant 8 : i32
    %mul3A_2 = arith.muli %add3A, %mul3A_1 : i32
    %mul3A_3 = arith.constant 56 : i32
    %mul3A_4 = arith.muli %mul3A_2, %mul3A_3 : i32
    "tpu.region"() ({
      %run_scoped3A = tpu.sem_alloc : memref<!tpu.dma_semaphore, #tpu.memory_space<semaphore_mem>>
      %dma_start3A = tpu.memref_slice %arg3[%mul3A_4] : memref<14336xi32, #tpu.memory_space<hbm>> -> memref<448xi32, #tpu.memory_space<hbm>>
      %dma_start3A_62 = tpu.memref_slice %arg3[%mul3A_4] : memref<14336xi32, #tpu.memory_space<hbm>> -> memref<448xi32, #tpu.memory_space<hbm>>
      tpu.enqueue_dma source(%dma_start3A_62 : memref<448xi32, #tpu.memory_space<hbm>>) target(%arg5 : memref<448xi32, #tpu.memory_space<vmem>>) target_semaphore(%run_scoped3A : memref<!tpu.dma_semaphore, #tpu.memory_space<semaphore_mem>>)
      %dma_wait3A_63 = tpu.memref_slice %arg3[%mul3A_4] : memref<14336xi32, #tpu.memory_space<hbm>> -> memref<448xi32, #tpu.memory_space<hbm>>
      %dma_wait3A_64 = tpu.memref_slice %arg3[%mul3A_4] : memref<14336xi32, #tpu.memory_space<hbm>> -> memref<448xi32, #tpu.memory_space<hbm>>
      tpu.wait_dma2 semaphore(%run_scoped3A : memref<!tpu.dma_semaphore, #tpu.memory_space<semaphore_mem>>) src(%dma_wait3A_64 : memref<448xi32, #tpu.memory_space<hbm>>) dst(%arg5 : memref<448xi32, #tpu.memory_space<vmem>>)
      tpu.yield
    }) : () -> ()
    %scan3A = arith.constant 0 : i32
    %scan3A_5 = arith.constant 0 : i32
    %scan3A_6 = arith.constant 4 : i32
    %scan3A_7 = arith.addi %scan3A_5, %scan3A_6 : i32
    %scan3A_8 = arith.constant 1 : i32
    scf.for %scan3A_62 = %scan3A_5 to %scan3A_7 step %scan3A_8  : i32 {
      %mul3A_63 = arith.constant 2 : i32
      %mul3A_64 = arith.muli %mul3A_63, %scan3A_62 : i32
      %add3A_65 = arith.constant 0 : i32
      %add3A_66 = arith.addi %mul3A_64, %add3A_65 : i32
      %ge3A = arith.constant 1 : i32
      %ge3A_67 = arith.cmpi sge, %scan3A_62, %ge3A : i32
      %convert_element_type3A = arith.extui %ge3A_67 : i1 to i32
      %cond3A = arith.constant 0 : i32
      %cond3A_68 = arith.cmpi ne, %convert_element_type3A, %cond3A : i32
      scf.if %cond3A_68 {
        %add3A_169 = arith.addi %mul3A_2, %add3A_66 : i32
        %sub3A_170 = arith.constant 2 : i32
        %sub3A_171 = arith.subi %add3A_169, %sub3A_170 : i32
        %dma_wait3A_172 = arith.constant 0 : i32
        %dma_wait3A_173 = arith.constant 0 : i32
        %dma_wait3A_174 = arith.constant 0 : i32
        %dma_wait3A_175 = arith.constant 0 : i32
        %dma_wait3A_176 = tpu.memref_slice %arg6[%dma_wait3A_172, %dma_wait3A_173, %dma_wait3A_174, %dma_wait3A_175] : memref<2x56x8x128xf32, #tpu.memory_space<vmem>> -> memref<1x56x8x128xf32, #tpu.memory_space<vmem>>
        %dma_wait3A_177 = tpu.memref_squeeze %dma_wait3A_176 : memref<1x56x8x128xf32, #tpu.memory_space<vmem>> -> memref<56x8x128xf32, #tpu.memory_space<vmem>>
        %dma_wait3A_178 = arith.constant 0 : i32
        %dma_wait3A_179 = arith.constant 0 : i32
        %dma_wait3A_180 = arith.constant 0 : i32
        %dma_wait3A_181 = tpu.memref_slice %arg4[%sub3A_171, %dma_wait3A_178, %dma_wait3A_179, %dma_wait3A_180] : memref<256x56x8x128xf32, #tpu.memory_space<hbm>> -> memref<1x56x8x128xf32, #tpu.memory_space<hbm>>
        %dma_wait3A_182 = tpu.memref_squeeze %dma_wait3A_181 : memref<1x56x8x128xf32, #tpu.memory_space<hbm>> -> memref<56x8x128xf32, #tpu.memory_space<hbm>>
        %dma_wait3A_183 = arith.constant 0 : i32
        %dma_wait3A_184 = arith.constant 0 : i32
        %dma_wait3A_185 = arith.constant 0 : i32
        %dma_wait3A_186 = tpu.memref_slice %arg4[%sub3A_171, %dma_wait3A_183, %dma_wait3A_184, %dma_wait3A_185] : memref<256x56x8x128xf32, #tpu.memory_space<hbm>> -> memref<1x56x8x128xf32, #tpu.memory_space<hbm>>
        %dma_wait3A_187 = tpu.memref_squeeze %dma_wait3A_186 : memref<1x56x8x128xf32, #tpu.memory_space<hbm>> -> memref<56x8x128xf32, #tpu.memory_space<hbm>>
        %dma_wait3A_188 = arith.constant 0 : i32
        %dma_wait3A_189 = arith.constant 0 : i32
        %dma_wait3A_190 = arith.constant 0 : i32
        %dma_wait3A_191 = tpu.memref_slice %arg6[%dma_wait3A_172, %dma_wait3A_188, %dma_wait3A_189, %dma_wait3A_190] : memref<2x56x8x128xf32, #tpu.memory_space<vmem>> -> memref<1x56x8x128xf32, #tpu.memory_space<vmem>>
        %dma_wait3A_192 = tpu.memref_squeeze %dma_wait3A_191 : memref<1x56x8x128xf32, #tpu.memory_space<vmem>> -> memref<56x8x128xf32, #tpu.memory_space<vmem>>
        tpu.wait_dma2 semaphore(%arg8 : memref<!tpu.dma_semaphore, #tpu.memory_space<semaphore_mem>>) src(%dma_wait3A_192 : memref<56x8x128xf32, #tpu.memory_space<vmem>>) dst(%dma_wait3A_187 : memref<56x8x128xf32, #tpu.memory_space<hbm>>)
      } else {
      }
      %mul3A_69 = arith.constant 56 : i32
      %mul3A_70 = arith.muli %add3A_66, %mul3A_69 : i32
      %dma_start3A = arith.constant 0 : i32
      %dma_start3A_71 = arith.constant 0 : i32
      %dma_start3A_72 = arith.constant 0 : i32
      %dma_start3A_73 = arith.constant 0 : i32
      %dma_start3A_74 = tpu.memref_slice %arg6[%dma_start3A, %dma_start3A_71, %dma_start3A_72, %dma_start3A_73] : memref<2x56x8x128xf32, #tpu.memory_space<vmem>> -> memref<1x56x8x128xf32, #tpu.memory_space<vmem>>
      %dma_start3A_75 = tpu.memref_squeeze %dma_start3A_74 : memref<1x56x8x128xf32, #tpu.memory_space<vmem>> -> memref<56x8x128xf32, #tpu.memory_space<vmem>>
      %dma_start3A_76 = tpu.memref_slice %arg5[%mul3A_70] : memref<448xi32, #tpu.memory_space<vmem>> -> memref<56xi32, #tpu.memory_space<vmem>>
      %dma_start3A_77 = arith.constant 0 : i32
      %dma_start3A_78 = arith.constant 0 : i32
      %dma_start3A_79 = arith.constant 0 : i32
      %dma_start3A_80 = tpu.memref_slice %arg2[%dma_start3A_77, %dma_start3A_78, %dma_start3A_79] : memref<1000x8x128xf32, #tpu.memory_space<hbm>> -> memref<1000x8x128xf32, #tpu.memory_space<hbm>>
      tpu.enqueue_indirect_dma source(%dma_start3A_80 : memref<1000x8x128xf32, #tpu.memory_space<hbm>>) target(%dma_start3A_75 : memref<56x8x128xf32, #tpu.memory_space<vmem>>) offsets(%dma_start3A_76 : memref<56xi32, #tpu.memory_space<vmem>>) semaphore(%arg7 : memref<!tpu.dma_semaphore, #tpu.memory_space<semaphore_mem>>)
      %dma_wait3A_81 = arith.constant 0 : i32
      %dma_wait3A_82 = arith.constant 0 : i32
      %dma_wait3A_83 = arith.constant 0 : i32
      %dma_wait3A_84 = arith.constant 0 : i32
      %dma_wait3A_85 = tpu.memref_slice %arg6[%dma_wait3A_81, %dma_wait3A_82, %dma_wait3A_83, %dma_wait3A_84] : memref<2x56x8x128xf32, #tpu.memory_space<vmem>> -> memref<1x56x8x128xf32, #tpu.memory_space<vmem>>
      %dma_wait3A_86 = tpu.memref_squeeze %dma_wait3A_85 : memref<1x56x8x128xf32, #tpu.memory_space<vmem>> -> memref<56x8x128xf32, #tpu.memory_space<vmem>>
      %dma_wait3A_87 = tpu.memref_slice %arg5[%mul3A_70] : memref<448xi32, #tpu.memory_space<vmem>> -> memref<56xi32, #tpu.memory_space<vmem>>
      %dma_wait3A_88 = arith.constant 0 : i32
      %dma_wait3A_89 = arith.constant 0 : i32
      %dma_wait3A_90 = arith.constant 0 : i32
      %dma_wait3A_91 = tpu.memref_slice %arg2[%dma_wait3A_88, %dma_wait3A_89, %dma_wait3A_90] : memref<1000x8x128xf32, #tpu.memory_space<hbm>> -> memref<1000x8x128xf32, #tpu.memory_space<hbm>>
      tpu.wait_indirect_dma semaphore(%arg7 : memref<!tpu.dma_semaphore, #tpu.memory_space<semaphore_mem>>) src(%dma_wait3A_91 : memref<1000x8x128xf32, #tpu.memory_space<hbm>>) dst(%dma_wait3A_86 : memref<56x8x128xf32, #tpu.memory_space<vmem>>)
      %add3A_92 = arith.addi %mul3A_2, %add3A_66 : i32
      %dma_start3A_93 = arith.constant 0 : i32
      %dma_start3A_94 = arith.constant 0 : i32
      %dma_start3A_95 = arith.constant 0 : i32
      %dma_start3A_96 = arith.constant 0 : i32
      %dma_start3A_97 = tpu.memref_slice %arg6[%dma_start3A_93, %dma_start3A_94, %dma_start3A_95, %dma_start3A_96] : memref<2x56x8x128xf32, #tpu.memory_space<vmem>> -> memref<1x56x8x128xf32, #tpu.memory_space<vmem>>
      %dma_start3A_98 = tpu.memref_squeeze %dma_start3A_97 : memref<1x56x8x128xf32, #tpu.memory_space<vmem>> -> memref<56x8x128xf32, #tpu.memory_space<vmem>>
      %dma_start3A_99 = arith.constant 0 : i32
      %dma_start3A_100 = arith.constant 0 : i32
      %dma_start3A_101 = arith.constant 0 : i32
      %dma_start3A_102 = tpu.memref_slice %arg4[%add3A_92, %dma_start3A_99, %dma_start3A_100, %dma_start3A_101] : memref<256x56x8x128xf32, #tpu.memory_space<hbm>> -> memref<1x56x8x128xf32, #tpu.memory_space<hbm>>
      %dma_start3A_103 = tpu.memref_squeeze %dma_start3A_102 : memref<1x56x8x128xf32, #tpu.memory_space<hbm>> -> memref<56x8x128xf32, #tpu.memory_space<hbm>>
      %dma_start3A_104 = arith.constant 0 : i32
      %dma_start3A_105 = arith.constant 0 : i32
      %dma_start3A_106 = arith.constant 0 : i32
      %dma_start3A_107 = tpu.memref_slice %arg4[%add3A_92, %dma_start3A_104, %dma_start3A_105, %dma_start3A_106] : memref<256x56x8x128xf32, #tpu.memory_space<hbm>> -> memref<1x56x8x128xf32, #tpu.memory_space<hbm>>
      %dma_start3A_108 = tpu.memref_squeeze %dma_start3A_107 : memref<1x56x8x128xf32, #tpu.memory_space<hbm>> -> memref<56x8x128xf32, #tpu.memory_space<hbm>>
      %dma_start3A_109 = arith.constant 0 : i32
      %dma_start3A_110 = arith.constant 0 : i32
      %dma_start3A_111 = arith.constant 0 : i32
      %dma_start3A_112 = tpu.memref_slice %arg6[%dma_start3A_93, %dma_start3A_109, %dma_start3A_110, %dma_start3A_111] : memref<2x56x8x128xf32, #tpu.memory_space<vmem>> -> memref<1x56x8x128xf32, #tpu.memory_space<vmem>>
      %dma_start3A_113 = tpu.memref_squeeze %dma_start3A_112 : memref<1x56x8x128xf32, #tpu.memory_space<vmem>> -> memref<56x8x128xf32, #tpu.memory_space<vmem>>
      tpu.enqueue_dma source(%dma_start3A_113 : memref<56x8x128xf32, #tpu.memory_space<vmem>>) target(%dma_start3A_108 : memref<56x8x128xf32, #tpu.memory_space<hbm>>) target_semaphore(%arg8 : memref<!tpu.dma_semaphore, #tpu.memory_space<semaphore_mem>>)
      %mul3A_114 = arith.constant 2 : i32
      %mul3A_115 = arith.muli %mul3A_114, %scan3A_62 : i32
      %add3A_116 = arith.constant 1 : i32
      %add3A_117 = arith.addi %mul3A_115, %add3A_116 : i32
      %ge3A_118 = arith.constant 1 : i32
      %ge3A_119 = arith.cmpi sge, %scan3A_62, %ge3A_118 : i32
      %convert_element_type3A_120 = arith.extui %ge3A_119 : i1 to i32
      %cond3A_121 = arith.constant 0 : i32
      %cond3A_122 = arith.cmpi ne, %convert_element_type3A_120, %cond3A_121 : i32
      scf.if %cond3A_122 {
        %add3A_169 = arith.addi %mul3A_2, %add3A_117 : i32
        %sub3A_170 = arith.constant 2 : i32
        %sub3A_171 = arith.subi %add3A_169, %sub3A_170 : i32
        %dma_wait3A_172 = arith.constant 1 : i32
        %dma_wait3A_173 = arith.constant 0 : i32
        %dma_wait3A_174 = arith.constant 0 : i32
        %dma_wait3A_175 = arith.constant 0 : i32
        %dma_wait3A_176 = tpu.memref_slice %arg6[%dma_wait3A_172, %dma_wait3A_173, %dma_wait3A_174, %dma_wait3A_175] : memref<2x56x8x128xf32, #tpu.memory_space<vmem>> -> memref<1x56x8x128xf32, #tpu.memory_space<vmem>>
        %dma_wait3A_177 = tpu.memref_squeeze %dma_wait3A_176 : memref<1x56x8x128xf32, #tpu.memory_space<vmem>> -> memref<56x8x128xf32, #tpu.memory_space<vmem>>
        %dma_wait3A_178 = arith.constant 0 : i32
        %dma_wait3A_179 = arith.constant 0 : i32
        %dma_wait3A_180 = arith.constant 0 : i32
        %dma_wait3A_181 = tpu.memref_slice %arg4[%sub3A_171, %dma_wait3A_178, %dma_wait3A_179, %dma_wait3A_180] : memref<256x56x8x128xf32, #tpu.memory_space<hbm>> -> memref<1x56x8x128xf32, #tpu.memory_space<hbm>>
        %dma_wait3A_182 = tpu.memref_squeeze %dma_wait3A_181 : memref<1x56x8x128xf32, #tpu.memory_space<hbm>> -> memref<56x8x128xf32, #tpu.memory_space<hbm>>
        %dma_wait3A_183 = arith.constant 0 : i32
        %dma_wait3A_184 = arith.constant 0 : i32
        %dma_wait3A_185 = arith.constant 0 : i32
        %dma_wait3A_186 = tpu.memref_slice %arg4[%sub3A_171, %dma_wait3A_183, %dma_wait3A_184, %dma_wait3A_185] : memref<256x56x8x128xf32, #tpu.memory_space<hbm>> -> memref<1x56x8x128xf32, #tpu.memory_space<hbm>>
        %dma_wait3A_187 = tpu.memref_squeeze %dma_wait3A_186 : memref<1x56x8x128xf32, #tpu.memory_space<hbm>> -> memref<56x8x128xf32, #tpu.memory_space<hbm>>
        %dma_wait3A_188 = arith.constant 0 : i32
        %dma_wait3A_189 = arith.constant 0 : i32
        %dma_wait3A_190 = arith.constant 0 : i32
        %dma_wait3A_191 = tpu.memref_slice %arg6[%dma_wait3A_172, %dma_wait3A_188, %dma_wait3A_189, %dma_wait3A_190] : memref<2x56x8x128xf32, #tpu.memory_space<vmem>> -> memref<1x56x8x128xf32, #tpu.memory_space<vmem>>
        %dma_wait3A_192 = tpu.memref_squeeze %dma_wait3A_191 : memref<1x56x8x128xf32, #tpu.memory_space<vmem>> -> memref<56x8x128xf32, #tpu.memory_space<vmem>>
        tpu.wait_dma2 semaphore(%arg9 : memref<!tpu.dma_semaphore, #tpu.memory_space<semaphore_mem>>) src(%dma_wait3A_192 : memref<56x8x128xf32, #tpu.memory_space<vmem>>) dst(%dma_wait3A_187 : memref<56x8x128xf32, #tpu.memory_space<hbm>>)
      } else {
      }
      %mul3A_123 = arith.constant 56 : i32
      %mul3A_124 = arith.muli %add3A_117, %mul3A_123 : i32
      %dma_start3A_125 = arith.constant 1 : i32
      %dma_start3A_126 = arith.constant 0 : i32
      %dma_start3A_127 = arith.constant 0 : i32
      %dma_start3A_128 = arith.constant 0 : i32
      %dma_start3A_129 = tpu.memref_slice %arg6[%dma_start3A_125, %dma_start3A_126, %dma_start3A_127, %dma_start3A_128] : memref<2x56x8x128xf32, #tpu.memory_space<vmem>> -> memref<1x56x8x128xf32, #tpu.memory_space<vmem>>
      %dma_start3A_130 = tpu.memref_squeeze %dma_start3A_129 : memref<1x56x8x128xf32, #tpu.memory_space<vmem>> -> memref<56x8x128xf32, #tpu.memory_space<vmem>>
      %dma_start3A_131 = tpu.memref_slice %arg5[%mul3A_124] : memref<448xi32, #tpu.memory_space<vmem>> -> memref<56xi32, #tpu.memory_space<vmem>>
      %dma_start3A_132 = arith.constant 0 : i32
      %dma_start3A_133 = arith.constant 0 : i32
      %dma_start3A_134 = arith.constant 0 : i32
      %dma_start3A_135 = tpu.memref_slice %arg2[%dma_start3A_132, %dma_start3A_133, %dma_start3A_134] : memref<1000x8x128xf32, #tpu.memory_space<hbm>> -> memref<1000x8x128xf32, #tpu.memory_space<hbm>>
      tpu.enqueue_indirect_dma source(%dma_start3A_135 : memref<1000x8x128xf32, #tpu.memory_space<hbm>>) target(%dma_start3A_130 : memref<56x8x128xf32, #tpu.memory_space<vmem>>) offsets(%dma_start3A_131 : memref<56xi32, #tpu.memory_space<vmem>>) semaphore(%arg7 : memref<!tpu.dma_semaphore, #tpu.memory_space<semaphore_mem>>)
      %dma_wait3A_136 = arith.constant 1 : i32
      %dma_wait3A_137 = arith.constant 0 : i32
      %dma_wait3A_138 = arith.constant 0 : i32
      %dma_wait3A_139 = arith.constant 0 : i32
      %dma_wait3A_140 = tpu.memref_slice %arg6[%dma_wait3A_136, %dma_wait3A_137, %dma_wait3A_138, %dma_wait3A_139] : memref<2x56x8x128xf32, #tpu.memory_space<vmem>> -> memref<1x56x8x128xf32, #tpu.memory_space<vmem>>
      %dma_wait3A_141 = tpu.memref_squeeze %dma_wait3A_140 : memref<1x56x8x128xf32, #tpu.memory_space<vmem>> -> memref<56x8x128xf32, #tpu.memory_space<vmem>>
      %dma_wait3A_142 = tpu.memref_slice %arg5[%mul3A_124] : memref<448xi32, #tpu.memory_space<vmem>> -> memref<56xi32, #tpu.memory_space<vmem>>
      %dma_wait3A_143 = arith.constant 0 : i32
      %dma_wait3A_144 = arith.constant 0 : i32
      %dma_wait3A_145 = arith.constant 0 : i32
      %dma_wait3A_146 = tpu.memref_slice %arg2[%dma_wait3A_143, %dma_wait3A_144, %dma_wait3A_145] : memref<1000x8x128xf32, #tpu.memory_space<hbm>> -> memref<1000x8x128xf32, #tpu.memory_space<hbm>>
      tpu.wait_indirect_dma semaphore(%arg7 : memref<!tpu.dma_semaphore, #tpu.memory_space<semaphore_mem>>) src(%dma_wait3A_146 : memref<1000x8x128xf32, #tpu.memory_space<hbm>>) dst(%dma_wait3A_141 : memref<56x8x128xf32, #tpu.memory_space<vmem>>)
      %add3A_147 = arith.addi %mul3A_2, %add3A_117 : i32
      %dma_start3A_148 = arith.constant 1 : i32
      %dma_start3A_149 = arith.constant 0 : i32
      %dma_start3A_150 = arith.constant 0 : i32
      %dma_start3A_151 = arith.constant 0 : i32
      %dma_start3A_152 = tpu.memref_slice %arg6[%dma_start3A_148, %dma_start3A_149, %dma_start3A_150, %dma_start3A_151] : memref<2x56x8x128xf32, #tpu.memory_space<vmem>> -> memref<1x56x8x128xf32, #tpu.memory_space<vmem>>
      %dma_start3A_153 = tpu.memref_squeeze %dma_start3A_152 : memref<1x56x8x128xf32, #tpu.memory_space<vmem>> -> memref<56x8x128xf32, #tpu.memory_space<vmem>>
      %dma_start3A_154 = arith.constant 0 : i32
      %dma_start3A_155 = arith.constant 0 : i32
      %dma_start3A_156 = arith.constant 0 : i32
      %dma_start3A_157 = tpu.memref_slice %arg4[%add3A_147, %dma_start3A_154, %dma_start3A_155, %dma_start3A_156] : memref<256x56x8x128xf32, #tpu.memory_space<hbm>> -> memref<1x56x8x128xf32, #tpu.memory_space<hbm>>
      %dma_start3A_158 = tpu.memref_squeeze %dma_start3A_157 : memref<1x56x8x128xf32, #tpu.memory_space<hbm>> -> memref<56x8x128xf32, #tpu.memory_space<hbm>>
      %dma_start3A_159 = arith.constant 0 : i32
      %dma_start3A_160 = arith.constant 0 : i32
      %dma_start3A_161 = arith.constant 0 : i32
      %dma_start3A_162 = tpu.memref_slice %arg4[%add3A_147, %dma_start3A_159, %dma_start3A_160, %dma_start3A_161] : memref<256x56x8x128xf32, #tpu.memory_space<hbm>> -> memref<1x56x8x128xf32, #tpu.memory_space<hbm>>
      %dma_start3A_163 = tpu.memref_squeeze %dma_start3A_162 : memref<1x56x8x128xf32, #tpu.memory_space<hbm>> -> memref<56x8x128xf32, #tpu.memory_space<hbm>>
      %dma_start3A_164 = arith.constant 0 : i32
      %dma_start3A_165 = arith.constant 0 : i32
      %dma_start3A_166 = arith.constant 0 : i32
      %dma_start3A_167 = tpu.memref_slice %arg6[%dma_start3A_148, %dma_start3A_164, %dma_start3A_165, %dma_start3A_166] : memref<2x56x8x128xf32, #tpu.memory_space<vmem>> -> memref<1x56x8x128xf32, #tpu.memory_space<vmem>>
      %dma_start3A_168 = tpu.memref_squeeze %dma_start3A_167 : memref<1x56x8x128xf32, #tpu.memory_space<vmem>> -> memref<56x8x128xf32, #tpu.memory_space<vmem>>
      tpu.enqueue_dma source(%dma_start3A_168 : memref<56x8x128xf32, #tpu.memory_space<vmem>>) target(%dma_start3A_163 : memref<56x8x128xf32, #tpu.memory_space<hbm>>) target_semaphore(%arg9 : memref<!tpu.dma_semaphore, #tpu.memory_space<semaphore_mem>>)
    }
    %scan3A_9 = arith.constant 4 : i32
    %add3A_10 = arith.constant 8 : i32
    %add3A_11 = arith.addi %mul3A_2, %add3A_10 : i32
    %sub3A = arith.constant 2 : i32
    %sub3A_12 = arith.subi %add3A_11, %sub3A : i32
    %add3A_13 = arith.constant 0 : i32
    %add3A_14 = arith.addi %sub3A_12, %add3A_13 : i32
    %dma_wait3A = arith.constant 0 : i32
    %dma_wait3A_15 = arith.constant 0 : i32
    %dma_wait3A_16 = arith.constant 0 : i32
    %dma_wait3A_17 = arith.constant 0 : i32
    %dma_wait3A_18 = tpu.memref_slice %arg6[%dma_wait3A, %dma_wait3A_15, %dma_wait3A_16, %dma_wait3A_17] : memref<2x56x8x128xf32, #tpu.memory_space<vmem>> -> memref<1x56x8x128xf32, #tpu.memory_space<vmem>>
    %dma_wait3A_19 = tpu.memref_squeeze %dma_wait3A_18 : memref<1x56x8x128xf32, #tpu.memory_space<vmem>> -> memref<56x8x128xf32, #tpu.memory_space<vmem>>
    %dma_wait3A_20 = arith.constant 0 : i32
    %dma_wait3A_21 = arith.constant 0 : i32
    %dma_wait3A_22 = arith.constant 0 : i32
    %dma_wait3A_23 = tpu.memref_slice %arg4[%add3A_14, %dma_wait3A_20, %dma_wait3A_21, %dma_wait3A_22] : memref<256x56x8x128xf32, #tpu.memory_space<hbm>> -> memref<1x56x8x128xf32, #tpu.memory_space<hbm>>
    %dma_wait3A_24 = tpu.memref_squeeze %dma_wait3A_23 : memref<1x56x8x128xf32, #tpu.memory_space<hbm>> -> memref<56x8x128xf32, #tpu.memory_space<hbm>>
    %dma_wait3A_25 = arith.constant 0 : i32
    %dma_wait3A_26 = arith.constant 0 : i32
    %dma_wait3A_27 = arith.constant 0 : i32
    %dma_wait3A_28 = tpu.memref_slice %arg4[%add3A_14, %dma_wait3A_25, %dma_wait3A_26, %dma_wait3A_27] : memref<256x56x8x128xf32, #tpu.memory_space<hbm>> -> memref<1x56x8x128xf32, #tpu.memory_space<hbm>>
    %dma_wait3A_29 = tpu.memref_squeeze %dma_wait3A_28 : memref<1x56x8x128xf32, #tpu.memory_space<hbm>> -> memref<56x8x128xf32, #tpu.memory_space<hbm>>
    %dma_wait3A_30 = arith.constant 0 : i32
    %dma_wait3A_31 = arith.constant 0 : i32
    %dma_wait3A_32 = arith.constant 0 : i32
    %dma_wait3A_33 = tpu.memref_slice %arg6[%dma_wait3A, %dma_wait3A_30, %dma_wait3A_31, %dma_wait3A_32] : memref<2x56x8x128xf32, #tpu.memory_space<vmem>> -> memref<1x56x8x128xf32, #tpu.memory_space<vmem>>
    %dma_wait3A_34 = tpu.memref_squeeze %dma_wait3A_33 : memref<1x56x8x128xf32, #tpu.memory_space<vmem>> -> memref<56x8x128xf32, #tpu.memory_space<vmem>>
    tpu.wait_dma2 semaphore(%arg8 : memref<!tpu.dma_semaphore, #tpu.memory_space<semaphore_mem>>) src(%dma_wait3A_34 : memref<56x8x128xf32, #tpu.memory_space<vmem>>) dst(%dma_wait3A_29 : memref<56x8x128xf32, #tpu.memory_space<hbm>>)
    %add3A_35 = arith.constant 8 : i32
    %add3A_36 = arith.addi %mul3A_2, %add3A_35 : i32
    %sub3A_37 = arith.constant 2 : i32
    %sub3A_38 = arith.subi %add3A_36, %sub3A_37 : i32
    %add3A_39 = arith.constant 1 : i32
    %add3A_40 = arith.addi %sub3A_38, %add3A_39 : i32
    %dma_wait3A_41 = arith.constant 1 : i32
    %dma_wait3A_42 = arith.constant 0 : i32
    %dma_wait3A_43 = arith.constant 0 : i32
    %dma_wait3A_44 = arith.constant 0 : i32
    %dma_wait3A_45 = tpu.memref_slice %arg6[%dma_wait3A_41, %dma_wait3A_42, %dma_wait3A_43, %dma_wait3A_44] : memref<2x56x8x128xf32, #tpu.memory_space<vmem>> -> memref<1x56x8x128xf32, #tpu.memory_space<vmem>>
    %dma_wait3A_46 = tpu.memref_squeeze %dma_wait3A_45 : memref<1x56x8x128xf32, #tpu.memory_space<vmem>> -> memref<56x8x128xf32, #tpu.memory_space<vmem>>
    %dma_wait3A_47 = arith.constant 0 : i32
    %dma_wait3A_48 = arith.constant 0 : i32
    %dma_wait3A_49 = arith.constant 0 : i32
    %dma_wait3A_50 = tpu.memref_slice %arg4[%add3A_40, %dma_wait3A_47, %dma_wait3A_48, %dma_wait3A_49] : memref<256x56x8x128xf32, #tpu.memory_space<hbm>> -> memref<1x56x8x128xf32, #tpu.memory_space<hbm>>
    %dma_wait3A_51 = tpu.memref_squeeze %dma_wait3A_50 : memref<1x56x8x128xf32, #tpu.memory_space<hbm>> -> memref<56x8x128xf32, #tpu.memory_space<hbm>>
    %dma_wait3A_52 = arith.constant 0 : i32
    %dma_wait3A_53 = arith.constant 0 : i32
    %dma_wait3A_54 = arith.constant 0 : i32
    %dma_wait3A_55 = tpu.memref_slice %arg4[%add3A_40, %dma_wait3A_52, %dma_wait3A_53, %dma_wait3A_54] : memref<256x56x8x128xf32, #tpu.memory_space<hbm>> -> memref<1x56x8x128xf32, #tpu.memory_space<hbm>>
    %dma_wait3A_56 = tpu.memref_squeeze %dma_wait3A_55 : memref<1x56x8x128xf32, #tpu.memory_space<hbm>> -> memref<56x8x128xf32, #tpu.memory_space<hbm>>
    %dma_wait3A_57 = arith.constant 0 : i32
    %dma_wait3A_58 = arith.constant 0 : i32
    %dma_wait3A_59 = arith.constant 0 : i32
    %dma_wait3A_60 = tpu.memref_slice %arg6[%dma_wait3A_41, %dma_wait3A_57, %dma_wait3A_58, %dma_wait3A_59] : memref<2x56x8x128xf32, #tpu.memory_space<vmem>> -> memref<1x56x8x128xf32, #tpu.memory_space<vmem>>
    %dma_wait3A_61 = tpu.memref_squeeze %dma_wait3A_60 : memref<1x56x8x128xf32, #tpu.memory_space<vmem>> -> memref<56x8x128xf32, #tpu.memory_space<vmem>>
    tpu.wait_dma2 semaphore(%arg9 : memref<!tpu.dma_semaphore, #tpu.memory_space<semaphore_mem>>) src(%dma_wait3A_61 : memref<56x8x128xf32, #tpu.memory_space<vmem>>) dst(%dma_wait3A_56 : memref<56x8x128xf32, #tpu.memory_space<hbm>>)
    return
  }
}

module attributes {stable_mosaic.version = 14 : i64} {
  func.func @_proj_kernel(%arg0: memref<1000x128xf32, #tpu.memory_space<vmem>>, %arg1: memref<128x1024xf32, #tpu.memory_space<vmem>>, %arg2: memref<1x1024xf32, #tpu.memory_space<vmem>>, %arg3: memref<1000x1024xf32, #tpu.memory_space<vmem>>) attributes {dimension_semantics = [], scalar_prefetch = 0 : i64, scratch_operands = 0 : i64, tpu.core_type = #tpu.core_type<tc>} {
    %get3A = arith.constant 0 : index
    %get3A_0 = arith.constant 0 : index
    %get3A_1 = vector.load %arg0[%get3A, %get3A_0] : memref<1000x128xf32, #tpu.memory_space<vmem>>, vector<1000x128xf32>
    %get3A_2 = arith.constant 0 : index
    %get3A_3 = arith.constant 0 : index
    %get3A_4 = vector.load %arg1[%get3A_2, %get3A_3] : memref<128x1024xf32, #tpu.memory_space<vmem>>, vector<128x1024xf32>
    %dot_general3A = arith.constant dense<0.000000e+00> : vector<1000x1024xf32>
    %dot_general3A_5 = tpu.matmul %get3A_1, %get3A_4, %dot_general3A {dimension_numbers = #tpu.dot_dimension_numbers<[1], [0], [0], [1], [0, 0, 1, 1], [], []>, transpose_lhs_hint = false} : vector<1000x128xf32>, vector<128x1024xf32>, vector<1000x1024xf32> -> vector<1000x1024xf32>
    %get3A_6 = arith.constant 0 : index
    %get3A_7 = arith.constant 0 : index
    %get3A_8 = vector.load %arg2[%get3A_6, %get3A_7] : memref<1x1024xf32, #tpu.memory_space<vmem>>, vector<1x1024xf32>
    %add3A = vector.broadcast %get3A_8 : vector<1x1024xf32> to vector<1000x1024xf32>
    %add3A_9 = arith.addf %dot_general3A_5, %add3A : vector<1000x1024xf32>
    %swap3A = arith.constant 0 : index
    %swap3A_10 = arith.constant 0 : index
    %swap3A_11 = vector.load %arg3[%swap3A, %swap3A_10] : memref<1000x1024xf32, #tpu.memory_space<vmem>>, vector<1000x1024xf32>
    tpu.vector_store %arg3[%swap3A, %swap3A_10], %add3A_9 {strides = array<i32>} : memref<1000x1024xf32, #tpu.memory_space<vmem>>, vector<1000x1024xf32>,
    return
  }
}

</mosaic_0001>

<sc_bundles>
// kernel: kernel.10.cloned.1.call-start
scs
__scs_entry_jumppad:
0x0: {  	(pc) =	sbr.rel $0x88, $3  }
0x1: {  	(tag) =	ssettag $0x0;
	lr =	simm.s32 $0x1  }
0x2: {  	[smem:$0x3F9D] =	sst lr;
	_ =	strace $0xD0000000  }
0x3: {  	_ = 	snop  }
0x4: {  	_ = 	snop  }
0x5: {  	_ = 	snop  }
0x6: {  	_ = 	snop  }
0x7: {  	_ = 	snop  }
__scs_overlays_trampoline_lowered:
0x8: {  	[smem:$0x3FAC] =	sst s0  }
0x9: {  	[smem:$0x3FAD] =	sst s1  }
0xa: {  	[smem:$0x3FAE] =	sst s2  }
0xb: {  	[smem:$0x3FAF] =	sst s3  }
0xc: {  	[smem:$0x3FB0] =	sst s4  }
0xd: {  	[smem:$0x3FB1] =	sst s5  }
0xe: {  	[smem:$0x3FB2] =	sst s6  }
0xf: {  	[smem:$0x3FB3] =	sst s7  }
0x10: {  	[smem:$0x3FB4] =	sst s8  }
0x11: {  	[smem:$0x3FB5] =	sst s9;
	s0 =	simm.s32 @!p0 $0x0  }
0x12: {  	s1 =	sld [smem:$0x3F9B];
	s0 =	simm.s32 @p0 $0x1  }
0x13: {  	[smem:$0x3FB6] =	sst s0;
	s0 =	simm.s32 @!p1 $0x0  }
0x14: {  	s2 =	sld [smem:$0x3F9A];
	s0 =	simm.s32 @p1 $0x1  }
0x15: {  	[smem:$0x3FB7] =	sst s0;
	s0 =	simm.s32 @!p2 $0x0  }
0x16: {  	s3 =	sld [smem:$0x3FDB];
	s0 =	simm.s32 @p2 $0x1  }
0x17: {  	s4 =	simm.s32 $0x1BF5;
	[smem:$0x3FB9] =	sst s0  }
0x18: {  	s0 =	sld [smem:$0x3F9C];
	_ =	swait.ge [sflag:s4], $0x0  }
0x19: {  	s7 =	sld [smem:$0x3F9D]  }
0x1a: {  	s8 =	sadd.s32 $0xFFFFE003, lr  }
0x1b: {  	s9 =	sadd.s32 $0xFFFFFEF7, lr;
	s5 =	simm.s32 $0xFFFFFFFF;
	p2 =	slt.u32 s8, $0xFFFFF086  }
0x1c: {  	p1 =	slt.u32 s9, $0xF7A;
	s5 =	simm.s32 @!p2 $0x0  }
0x1d: {  	s5 =	simm.s32 @p1 $0x1;
	p0 =	seq.s32 s7, s2  }
0x1e: {  	s7 =	smul.u32 @!p0 $0xF7A, s2;
	p2 =	seq.s32 @!p0 s5, $0x0  }
0x1f: {  	s9 =	smul.u32 $0xF7A, s1;
	s8 =	simm.s32 @!p0 $0x1BF5;
	p2 =	por !p2, p0  }
0x20: {  	[sflag:s8] =	ssyncset.s32 @!p0 $0xFFFFF086;
	s6 =	sadd.s32 @!p0 s3, s7;
	s7 =	simm.s32 @!p0 $0x108  }
0x21: {  	s3 =	sadd.s32 s3, s9;
	s6 =	sadd.s32 @!p0 $0x88, s6;
	s7 =	simm.s32 @p2 $0x1082  }
0x22: {  	[simem:s7], [sflag:s8] =	dma.local @!p0 [hbm:s6], $0xF7A  }
0x23: {  	s9 =	sor.u32 $0xD0000000, s2;
	s6 =	simm.s32 $0x108;
	_ =	swait.ge @!p0 [sflag:s8], $0x0  }
0x24: {  	s3 =	sadd.s32 $0x88, s3;
	s6 =	simm.s32 @!p1 $0x1082;
	[sflag:s4] =	ssyncset.s32 $0xFFFFF086  }
0x25: {  	[simem:s6], [sflag:s4] =	dma.local [hbm:s3], $0xF7A  }
0x26: {  	[smem:$0x3F9D] =	sst s1;
	(tag) =	ssettag s2;
	_ =	strace s9  }
0x27: {  	s1 =	sld [smem:$0x3FAD]  }
0x28: {  	s2 =	sld [smem:$0x3FAE]  }
0x29: {  	s4 =	sld [smem:$0x3FB0]  }
0x2a: {  	p0 =	seq.s32 s5, $0x0;
	s5 =	sld [smem:$0x3FB1]  }
0x2b: {  	s6 =	sld [smem:$0x3FB2]  }
0x2c: {  	s7 =	sld [smem:$0x3FB3]  }
0x2d: {  	s3 =	simm.s32 $0x108;
	s8 =	sld [smem:$0x3FB4]  }
0x2e: {  	s3 =	simm.s32 @!p0 $0x1082;
	s9 =	sld [smem:$0x3FB5]  }
0x2f: {  	lr =	sadd.s32 s0, s3;
	s0 =	sld [smem:$0x3FAC]  }
0x30: {  	s3 =	sld [smem:$0x3FAF]  }
0x31: {  	[smem:$0x3FB8] =	sst s10  }
0x32: {  	s10 =	sld [smem:$0x3FB6];
	_ =	sdelay $0x3  }
0x33: {  	p0 =	seq.s32 s10, $0x1;
	s10 =	sld [smem:$0x3FB8];
	_ =	sdelay $0x3  }
0x34: {  	[smem:$0x3FB8] =	sst s10  }
0x35: {  	s10 =	sld [smem:$0x3FB7];
	_ =	sdelay $0x3  }
0x36: {  	p1 =	seq.s32 s10, $0x1;
	s10 =	sld [smem:$0x3FB8];
	_ =	sdelay $0x3  }
0x37: {  	[smem:$0x3FB8] =	sst s10  }
0x38: {  	s10 =	sld [smem:$0x3FB9]  }
0x39: {  	_ = 	snop;
	(pc) =	sbr.ind lr, $3  }
0x3a: {  	_ = 	snop  }
0x3b: {  	_ = 	snop  }
0x3c: {  	p2 =	seq.s32 s10, $0x1;
	s10 =	sld [smem:$0x3FB8]  }
0x3d: {  	_ =	shalt  }
0x3e: {  	_ =	shalt  }
0x3f: {  	_ =	shalt  }
0x40: {  	_ =	shalt  }
0x41: {  	_ =	shalt  }
0x42: {  	_ =	shalt  }
0x43: {  	_ =	shalt  }
0x44: {  	_ =	shalt  }
0x45: {  	_ =	shalt  }
0x46: {  	_ =	shalt  }
0x47: {  	_ =	shalt  }
0x48: {  	_ =	shalt  }
0x49: {  	_ =	shalt  }
0x4a: {  	_ =	shalt  }
0x4b: {  	_ =	shalt  }
0x4c: {  	_ =	shalt  }
0x4d: {  	_ =	shalt  }
0x4e: {  	_ =	shalt  }
0x4f: {  	_ =	shalt  }
0x50: {  	_ =	shalt  }
0x51: {  	_ =	shalt  }
0x52: {  	_ =	shalt  }
0x53: {  	_ =	shalt  }
0x54: {  	_ =	shalt  }
0x55: {  	_ =	shalt  }
0x56: {  	_ =	shalt  }
0x57: {  	_ =	shalt  }
0x58: {  	_ =	shalt  }
0x59: {  	_ =	shalt  }
0x5a: {  	_ =	shalt  }
0x5b: {  	_ =	shalt  }
0x5c: {  	_ =	shalt  }
0x5d: {  	_ =	shalt  }
0x5e: {  	_ =	shalt  }
0x5f: {  	_ =	shalt  }
0x60: {  	_ =	shalt  }
0x61: {  	_ =	shalt  }
0x62: {  	_ =	shalt  }
0x63: {  	_ =	shalt  }
0x64: {  	_ =	shalt  }
0x65: {  	_ =	shalt  }
0x66: {  	_ =	shalt  }
0x67: {  	_ =	shalt  }
0x68: {  	_ =	shalt  }
0x69: {  	_ =	shalt  }
0x6a: {  	_ =	shalt  }
0x6b: {  	_ =	shalt  }
0x6c: {  	_ =	shalt  }
0x6d: {  	_ =	shalt  }
0x6e: {  	_ =	shalt  }
0x6f: {  	_ =	shalt  }
0x70: {  	_ =	shalt  }
0x71: {  	_ =	shalt  }
0x72: {  	_ =	shalt  }
0x73: {  	_ =	shalt  }
0x74: {  	_ =	shalt  }
0x75: {  	_ =	shalt  }
0x76: {  	_ =	shalt  }
0x77: {  	_ =	shalt  }
0x78: {  	_ =	shalt  }
0x79: {  	_ =	shalt  }
0x7a: {  	_ =	shalt  }
0x7b: {  	_ =	shalt  }
0x7c: {  	_ =	shalt  }
0x7d: {  	_ =	shalt  }
0x7e: {  	_ =	shalt  }
0x7f: {  	_ =	shalt  }
0x80: {  	_ =	shalt  }
0x81: {  	_ =	shalt  }
0x82: {  	_ =	shalt  }
0x83: {  	_ =	shalt  }
0x84: {  	_ =	shalt  }
0x85: {  	_ =	shalt  }
0x86: {  	_ =	shalt  }
0x87: {  	_ =	shalt  }
.Lfunc_end0:
.L_simem_size_0:
called_computation.1_lowered:
.L_overlay_start_0:
0x88: {  	s2 =	sld [smem:$0x3FD9]  }
0x89: {  	s3 =	sld [smem:$0x3FFE];
	_ =	sdelay $0x1  }
0x8a: {  	s1 =	srdreg.scid  }
0x8b: {  	s0 =	sand.u32 $0x1, s1  }
0x8c: {  	s17 =	sshll.u32 s0, $0xA;
	s2 =	sadd.s32 s3, s2  }
0x8d: {  	s2 =	sadd.s32 s2, s17  }
0x8e: {  	[smem:$0x3FC4] =	sst s2  }
0x8f: {  	_ = 	snop  }
0x90: {  	(tm) =	ssettm $0x1  }
0x91: {  	s18 =	sld [smem:$0x3FFB];
	_ =	sdelay $0x3  }
0x92: {  	_ =	strace s18  }
0x93: {  	s2 =	sld [smem:$0x3FFC];
	_ =	sdelay $0x3  }
0x94: {  	_ =	strace s2  }
0x95: {  	s2 =	sld [smem:$0x3FFD];
	_ =	sdelay $0x3  }
0x96: {  	_ =	strace s2  }
0x97: {  	_ =	strace $0x8FFFFFFF  }
0x98: {  	s19 =	sld [smem:$0x3FDB];
	_ =	sdelay $0x1  }
0x99: {  	s20 =	simm.s32 $_scs_section_size  }
0x9a: {  	s4 =	simm.s32 $_size__tile_overlayer_lowered;
	s5 =	simm.s32 $_tile_overlayer_lowered  }
0x9b: {  	s6 =	simm.s32 $0x1BFF;
	s21 =	sshll.u32 s5, $0x1;
	s3 =	sadd.s32 s20, s19  }
0x9c: {  	s22 =	simm.s32 $0x0;
	s4 =	sshll.u32 s4, $0x1;
	s5 =	sadd.s32 s21, s3  }
0x9d: {  	[timem:s22], [sflag:s6] =	dma.local [hbm:s5], s4  }
0x9e: {  	_ =	swait.ge [sflag:s6], s4  }
0x9f: {  	s4 =	ssub.s32 $0x0, s4;
	[sflag:s6] =	ssyncset.done $0x0  }
0xa0: {  	[sflag:s6] =	ssyncadd.s32 s4;
	_ =	sdelay $0x1  }
0xa1: {  	s23 =	simm.s32 $0x1B8B  }
0xa2: {  	_ =	swait.ge [sflag:s23], $0x1  }
0xa3: {  	[sflag:s23] =	ssyncset.done $0x0  }
0xa4: {  	[sflag:s23] =	ssyncadd.s32 $0xFFFFFFFF  }
0xa5: {  	s4 =	sld [smem:$0x0]  }
0xa6: {  	s5 =	sand.u32 $0xFFFFFFFE, s1  }
0xa7: {  	p0 =	sne.s32 s1, s5  }
0xa8: {  	s5 =	sshll.u32 @p0 s5, $0xE  }
0xa9: {  	s5 =	sadd.s32 @p0 $0x11B8D, s5;
	s6 =	sshll.u32 @p0 s4, $0x11  }
0xaa: {  	s5 =	sor.u32 @p0 s6, s5  }
0xab: {  	[sflag:s5] =	ssyncadd.remote.s32 @p0 $0x1;
	_ =	sdelay $0x1  }
0xac: {  	s5 =	simm.s32 @p0 $0x1B8D  }
0xad: {  	_ =	swait.eq @p0 [sflag:s5], $0x1  }
0xae: {  	[sflag:s5] =	ssyncadd.s32 @p0 $0xFFFFFFFF  }
0xaf: {  	s6 =	sshll.u32 @!p0 s1, $0xE  }
0xb0: {  	s6 =	sor.u32 @!p0 $0x4000, s6;
	s5 =	simm.s32 @!p0 $0x1B8D  }
0xb1: {  	s4 =	sshll.u32 @!p0 s4, $0x11;
	s6 =	sadd.s32 @!p0 $0x11B8D, s6;
	_ =	swait.eq @!p0 [sflag:s5], $0x1  }
0xb2: {  	s4 =	sor.u32 @!p0 s4, s6;
	[sflag:s5] =	ssyncadd.s32 @!p0 $0xFFFFFFFF  }
0xb3: {  	s25 =	simm.s32 $0x1B8E;
	s24 =	sld [smem:$0x3FFE];
	[sflag:s4] =	ssyncadd.remote.s32 @!p0 $0x1  }
0xb4: {  	s26 =	simm.s32 $execute0_lowered;
	[smem:$0x3FD2] =	sst s25  }
0xb5: {  	s5 =	sshll.u32 s26, $0x1;
	_ =	strace $0x8000004C;
	[dreg:$0x1] =	wrdreg $0xFFFFFFFF  }
0xb6: {  	s28 =	simm.s32 $_size_execute0_lowered;
	s3 =	sadd.s32 s3, s5;
	[dreg:$0x0] =	wrdreg $0x0  }
0xb7: {  	s5 =	sshll.u32 s28, $0x1;
	[dreg:$0x2] =	wrdreg s3  }
0xb8: {  	[dreg:$0x3] =	wrdreg s5  }
0xb9: {  	[dreg:$0x4] =	wrdreg $0xC0  }
0xba: {  	_ =	task [dreg:s22], $0x5FFFF  }
0xbb: {  	[dreg:$0x1] =	wrdreg $0xFFFFFFFF  }
0xbc: {  	[dreg:$0x0] =	wrdreg $0x60  }
0xbd: {  	[dreg:$0x2] =	wrdreg s24  }
0xbe: {  	[dreg:$0x3] =	wrdreg $0xA  }
0xbf: {  	_ =	task.clear_ibuf [dreg:s22], $0x4FFFF;
	_ =	strace $0x9000004C  }
0xc0: {  	s29 =	simm.s32 $0xA;
	_ =	strace $0x8000004E  }
0xc1: {  	_ =	swait.ge [sflag:s29], $0x1  }
0xc2: {  	[sflag:s29] =	ssyncadd.s32 $0xFFFFFFFF  }
0xc3: {  	_ =	strace $0x9000004E  }
0xc4: {  	_ =	sfence  }
0xc5: {  	s30 =	sld [smem:$0x0];
	_ =	sdelay $0x2  }
0xc6: {  	s31 =	sshll.u32 s1, $0xD;
	s1 =	sshrl.u32 s1, $0x2  }
0xc7: {  	s4 =	sand.u32 $0x4000, s31;
	s1 =	sadd.s32 s1, s30  }
0xc8: {  	s0 =	sor.u32 s4, s0;
	s1 =	sshll.u32 s1, $0x11  }
0xc9: {  	s0 =	sor.u32 s1, s0  }
0xca: {  	s0 =	sadd.s32 $0x8F2B, s0  }
0xcb: {  	[sflag:s0] =	ssyncadd.remote.s32 $0x1  }
0xcc: {  	_ =	sfence.sel $0xFFFF  }
0xcd: {  	[dreg:$0x0] =	wrdreg $0xFFFFFFFF;
	(pc) =	sbr.abs _section_cstart, $3  }
0xce: {  	[dreg:$0x1] =	wrdreg $0xFFFFFFFF  }
0xcf: {  	_ =	task.clear_ibuf [dreg:s22], $0x2FFFF;
	_ =	strace $0x9FFFFFFF  }
0xd0: {  	(tm) =	ssettm $0x7FFFFFFF  }
0xd1: {  	_ =	shalt  }
tec
execute0_lowered:
.L_overlay_start_1:
0x0: {  	(tag) =	ssettag $0x1  }
0x1: {  	s1 =	srdreg.scid;
	s0 =	stileid.u32  }
0x2: {  	s25 =	sand.u32 $0x1, s1;
	s30 =	sshll.u32 s0, $0x1  }
0x3: {  	s6 =	sor.u32 s25, s30  }
0x4: {  	s3 =	smul.u32 $0x38, s6  }
0x5: {  	s9 =	rddreg [dreg:$0x0];
	s2 =	simm.s32 $0x0  }
0x6: {  	s4 =	simm.s32 $0x4;
	[smem:$0x7FF] =	sst s2;
	s3 =	sadd.s32 s3, s9  }
0x7: {  	s1 =	rddreg [dreg:$0x1];
	_ =	strace $0x8000004D;
	s3 =	sadd.s32 $0x1E00, s3  }
0x8: {  	[tilespmem:s2], [sflag:$0x4] =	stream.linear.gather [hbm4b:s3+s2], $0x1C0, $0x38;
	[tilespmem:$0x1C200] =	vst v63  }
0x9: {  	s7 =	simm.s32 $0x200;
	_ =	swait.ge [sflag:s4], $0x1C0  }
0xa: {  	s8 =	simm.s32 $0x1;
	s5 =	sadd.s32 $0x2600, s9;
	[sflag:s4] =	ssyncset.done $0x0  }
0xb: {  	s10 =	smul.u32 $0xE000, s6;
	s6 =	simm.s32 $0x38;
	[sflag:s4] =	ssyncadd.s32 $0xFFFFFE40  }
0xc: {  	[tilespmem:s7], [sflag:$0x1] =	stream.indirect.gather [hbm4b:s5+s6], $0x400, s2, s6, $0xb8;
	[tilespmem:$0x1C200] =	vst v63  }
0xd: {  	_ =	swait.ge [sflag:s8], $0xE000  }
0xe: {  	s26 =	sadd.s32 s10, s9;
	[sflag:s8] =	ssyncset.done $0x0  }
0xf: {  	s9 =	sadd.s32 $0x3A1A00, s26;
	[sflag:s8] =	ssyncadd.s32 $0xFFFF2000  }
0x10: {  	[hbm4b:s9+s2] =	stream.linear.scatter [tilespmem:s7], [sflag:$0x2], $0xE000, $0x38;
	[tilespmem:$0x1C200] =	vst v63  }
0x11: {  	s10 =	simm.s32 $0xE200  }
0x12: {  	[tilespmem:s10], [sflag:$0x1] =	stream.indirect.gather [hbm4b:s5+s6], $0x400, s6, s6, $0xb8;
	[tilespmem:$0x1C200] =	vst v63  }
0x13: {  	_ =	swait.ge [sflag:s8], $0xE000  }
0x14: {  	[sflag:s8] =	ssyncset.done $0x0  }
0x15: {  	s12 =	simm.s32 $0x2;
	s11 =	sadd.s32 $0x3A3600, s26;
	[sflag:s8] =	ssyncadd.s32 $0xFFFF2000  }
0x16: {  	[hbm4b:s11+s2] =	stream.linear.scatter [tilespmem:s10], [sflag:$0x3], $0xE000, $0x38;
	[tilespmem:$0x1C200] =	vst v63  }
0x17: {  	_ =	swait.ge [sflag:s12], $0xE000  }
0x18: {  	[sflag:s12] =	ssyncset.done $0x0  }
0x19: {  	s13 =	simm.s32 $0x70;
	[sflag:s12] =	ssyncadd.s32 $0xFFFF2000  }
0x1a: {  	[tilespmem:s7], [sflag:$0x1] =	stream.indirect.gather [hbm4b:s5+s6], $0x400, s13, s6, $0xb8;
	[tilespmem:$0x1C200] =	vst v63  }
0x1b: {  	_ =	swait.ge [sflag:s8], $0xE000  }
0x1c: {  	[sflag:s8] =	ssyncset.done $0x0  }
0x1d: {  	s14 =	simm.s32 $0x3;
	s15 =	sadd.s32 $0x3A5200, s26;
	[sflag:s8] =	ssyncadd.s32 $0xFFFF2000  }
0x1e: {  	[hbm4b:s15+s2] =	stream.linear.scatter [tilespmem:s7], [sflag:$0x2], $0xE000, $0x38;
	[tilespmem:$0x1C200] =	vst v63  }
0x1f: {  	_ =	swait.ge [sflag:s14], $0xE000  }
0x20: {  	[sflag:s14] =	ssyncset.done $0x0  }
0x21: {  	s16 =	simm.s32 $0xA8;
	[sflag:s14] =	ssyncadd.s32 $0xFFFF2000  }
0x22: {  	[tilespmem:s10], [sflag:$0x1] =	stream.indirect.gather [hbm4b:s5+s6], $0x400, s16, s6, $0xb8;
	[tilespmem:$0x1C200] =	vst v63  }
0x23: {  	_ =	swait.ge [sflag:s8], $0xE000  }
0x24: {  	[sflag:s8] =	ssyncset.done $0x0  }
0x25: {  	s17 =	sadd.s32 $0x3A6E00, s26;
	[sflag:s8] =	ssyncadd.s32 $0xFFFF2000  }
0x26: {  	[hbm4b:s17+s2] =	stream.linear.scatter [tilespmem:s10], [sflag:$0x3], $0xE000, $0x38;
	[tilespmem:$0x1C200] =	vst v63  }
0x27: {  	_ =	swait.ge [sflag:s12], $0xE000  }
0x28: {  	[sflag:s12] =	ssyncset.done $0x0  }
0x29: {  	s18 =	simm.s32 $0xE0;
	[sflag:s12] =	ssyncadd.s32 $0xFFFF2000  }
0x2a: {  	[tilespmem:s7], [sflag:$0x1] =	stream.indirect.gather [hbm4b:s5+s6], $0x400, s18, s6, $0xb8;
	[tilespmem:$0x1C200] =	vst v63  }
0x2b: {  	_ =	swait.ge [sflag:s8], $0xE000  }
0x2c: {  	[sflag:s8] =	ssyncset.done $0x0  }
0x2d: {  	s19 =	sadd.s32 $0x3A8A00, s26;
	[sflag:s8] =	ssyncadd.s32 $0xFFFF2000  }
0x2e: {  	[hbm4b:s19+s2] =	stream.linear.scatter [tilespmem:s7], [sflag:$0x2], $0xE000, $0x38;
	[tilespmem:$0x1C200] =	vst v63  }
0x2f: {  	_ =	swait.ge [sflag:s14], $0xE000  }
0x30: {  	[sflag:s14] =	ssyncset.done $0x0  }
0x31: {  	s20 =	simm.s32 $0x118;
	[sflag:s14] =	ssyncadd.s32 $0xFFFF2000  }
0x32: {  	[tilespmem:s10], [sflag:$0x1] =	stream.indirect.gather [hbm4b:s5+s6], $0x400, s20, s6, $0xb8;
	[tilespmem:$0x1C200] =	vst v63  }
0x33: {  	_ =	swait.ge [sflag:s8], $0xE000  }
0x34: {  	[sflag:s8] =	ssyncset.done $0x0  }
0x35: {  	s21 =	sadd.s32 $0x3AA600, s26;
	[sflag:s8] =	ssyncadd.s32 $0xFFFF2000  }
0x36: {  	[hbm4b:s21+s2] =	stream.linear.scatter [tilespmem:s10], [sflag:$0x3], $0xE000, $0x38;
	[tilespmem:$0x1C200] =	vst v63  }
0x37: {  	_ =	swait.ge [sflag:s12], $0xE000  }
0x38: {  	[sflag:s12] =	ssyncset.done $0x0  }
0x39: {  	s22 =	simm.s32 $0x150;
	[sflag:s12] =	ssyncadd.s32 $0xFFFF2000  }
0x3a: {  	[tilespmem:s7], [sflag:$0x1] =	stream.indirect.gather [hbm4b:s5+s6], $0x400, s22, s6, $0xb8;
	[tilespmem:$0x1C200] =	vst v63  }
0x3b: {  	_ =	swait.ge [sflag:s8], $0xE000  }
0x3c: {  	[sflag:s8] =	ssyncset.done $0x0  }
0x3d: {  	s23 =	sadd.s32 $0x3AC200, s26;
	[sflag:s8] =	ssyncadd.s32 $0xFFFF2000  }
0x3e: {  	[hbm4b:s23+s2] =	stream.linear.scatter [tilespmem:s7], [sflag:$0x2], $0xE000, $0x38;
	[tilespmem:$0x1C200] =	vst v63  }
0x3f: {  	_ =	swait.ge [sflag:s14], $0xE000  }
0x40: {  	s28 =	ssub.s32 $0x2, s25;
	[sflag:s14] =	ssyncset.done $0x0  }
0x41: {  	s24 =	simm.s32 $0x188;
	s31 =	sshrl.u32 s28, $0x1;
	[sflag:s14] =	ssyncadd.s32 $0xFFFF2000  }
0x42: {  	[tilespmem:s10], [sflag:$0x1] =	stream.indirect.gather [hbm4b:s5+s6], $0x400, s24, s6, $0xb8;
	[tilespmem:$0x1C200] =	vst v63  }
0x43: {  	s25 =	sadd.s32 $0x3ADE00, s26;
	s26 =	ssub.s32 s28, s31;
	_ =	swait.ge [sflag:s8], $0xE000  }
0x44: {  	s26 =	smax.u32 s26, $0x1;
	[sflag:s8] =	ssyncset.done $0x0  }
0x45: {  	p0 =	sne.s32 s26, $0x1;
	[sflag:s8] =	ssyncadd.s32 $0xFFFF2000  }
0x46: {  	[hbm4b:s25+s2] =	stream.linear.scatter [tilespmem:s10], [sflag:$0x3], $0xE000, $0x38;
	[tilespmem:$0x1C200] =	vst v63  }
.Ltmp0:
0x47: {  	_ =	swait.ge [sflag:s12], $0xE000;
	(pc) =	sbr.rel @!p0 .LBB2_2-.Ltmp0, $4  }
0x48: {  	[sflag:s12] =	ssyncset.done $0x0  }
0x49: {  	[sflag:s12] =	ssyncadd.s32 $0xFFFF2000  }
0x4a: {  	_ =	swait.ge [sflag:s14], $0xE000  }
0x4b: {  	s26 =	sadd.s32 $0xFFFFFFFF, s26;
	[sflag:s14] =	ssyncset.done $0x0  }
.LBB2_1:
0x4c: {  	p0 =	sne.s32 s26, $0x1;
	s26 =	sadd.s32 $0xFFFFFFFF, s26;
	[sflag:s14] =	ssyncadd.s32 $0xFFFF2000  }
0x4d: {  	[tilespmem:s2], [sflag:$0x4] =	stream.linear.gather [hbm4b:s3+s2], $0x1C0, $0x38;
	[tilespmem:$0x1C200] =	vst v63  }
0x4e: {  	_ =	swait.ge [sflag:s4], $0x1C0  }
0x4f: {  	[sflag:s4] =	ssyncset.done $0x0  }
0x50: {  	[sflag:s4] =	ssyncadd.s32 $0xFFFFFE40  }
0x51: {  	[tilespmem:s7], [sflag:$0x1] =	stream.indirect.gather [hbm4b:s5+s6], $0x400, s2, s6, $0xb8;
	[tilespmem:$0x1C200] =	vst v63  }
0x52: {  	_ =	swait.ge [sflag:s8], $0xE000  }
0x53: {  	[sflag:s8] =	ssyncset.done $0x0  }
0x54: {  	[sflag:s8] =	ssyncadd.s32 $0xFFFF2000  }
0x55: {  	[hbm4b:s9+s2] =	stream.linear.scatter [tilespmem:s7], [sflag:$0x2], $0xE000, $0x38;
	[tilespmem:$0x1C200] =	vst v63  }
0x56: {  	_ = 	snop  }
0x57: {  	[tilespmem:s10], [sflag:$0x1] =	stream.indirect.gather [hbm4b:s5+s6], $0x400, s6, s6, $0xb8;
	[tilespmem:$0x1C200] =	vst v63  }
0x58: {  	_ =	swait.ge [sflag:s8], $0xE000  }
0x59: {  	[sflag:s8] =	ssyncset.done $0x0  }
0x5a: {  	[sflag:s8] =	ssyncadd.s32 $0xFFFF2000  }
0x5b: {  	[hbm4b:s11+s2] =	stream.linear.scatter [tilespmem:s10], [sflag:$0x3], $0xE000, $0x38;
	[tilespmem:$0x1C200] =	vst v63  }
0x5c: {  	_ =	swait.ge [sflag:s12], $0xE000  }
0x5d: {  	[sflag:s12] =	ssyncset.done $0x0  }
0x5e: {  	[sflag:s12] =	ssyncadd.s32 $0xFFFF2000  }
0x5f: {  	[tilespmem:s7], [sflag:$0x1] =	stream.indirect.gather [hbm4b:s5+s6], $0x400, s13, s6, $0xb8;
	[tilespmem:$0x1C200] =	vst v63  }
0x60: {  	_ =	swait.ge [sflag:s8], $0xE000  }
0x61: {  	[sflag:s8] =	ssyncset.done $0x0  }
0x62: {  	[sflag:s8] =	ssyncadd.s32 $0xFFFF2000  }
0x63: {  	[hbm4b:s15+s2] =	stream.linear.scatter [tilespmem:s7], [sflag:$0x2], $0xE000, $0x38;
	[tilespmem:$0x1C200] =	vst v63  }
0x64: {  	_ =	swait.ge [sflag:s14], $0xE000  }
0x65: {  	[sflag:s14] =	ssyncset.done $0x0  }
0x66: {  	[sflag:s14] =	ssyncadd.s32 $0xFFFF2000  }
0x67: {  	[tilespmem:s10], [sflag:$0x1] =	stream.indirect.gather [hbm4b:s5+s6], $0x400, s16, s6, $0xb8;
	[tilespmem:$0x1C200] =	vst v63  }
0x68: {  	_ =	swait.ge [sflag:s8], $0xE000  }
0x69: {  	[sflag:s8] =	ssyncset.done $0x0  }
0x6a: {  	[sflag:s8] =	ssyncadd.s32 $0xFFFF2000  }
0x6b: {  	[hbm4b:s17+s2] =	stream.linear.scatter [tilespmem:s10], [sflag:$0x3], $0xE000, $0x38;
	[tilespmem:$0x1C200] =	vst v63  }
0x6c: {  	_ =	swait.ge [sflag:s12], $0xE000  }
0x6d: {  	[sflag:s12] =	ssyncset.done $0x0  }
0x6e: {  	[sflag:s12] =	ssyncadd.s32 $0xFFFF2000  }
0x6f: {  	[tilespmem:s7], [sflag:$0x1] =	stream.indirect.gather [hbm4b:s5+s6], $0x400, s18, s6, $0xb8;
	[tilespmem:$0x1C200] =	vst v63  }
0x70: {  	_ =	swait.ge [sflag:s8], $0xE000  }
0x71: {  	[sflag:s8] =	ssyncset.done $0x0  }
0x72: {  	[sflag:s8] =	ssyncadd.s32 $0xFFFF2000  }
0x73: {  	[hbm4b:s19+s2] =	stream.linear.scatter [tilespmem:s7], [sflag:$0x2], $0xE000, $0x38;
	[tilespmem:$0x1C200] =	vst v63  }
0x74: {  	_ =	swait.ge [sflag:s14], $0xE000  }
0x75: {  	[sflag:s14] =	ssyncset.done $0x0  }
0x76: {  	[sflag:s14] =	ssyncadd.s32 $0xFFFF2000  }
0x77: {  	[tilespmem:s10], [sflag:$0x1] =	stream.indirect.gather [hbm4b:s5+s6], $0x400, s20, s6, $0xb8;
	[tilespmem:$0x1C200] =	vst v63  }
0x78: {  	_ =	swait.ge [sflag:s8], $0xE000  }
0x79: {  	[sflag:s8] =	ssyncset.done $0x0  }
0x7a: {  	[sflag:s8] =	ssyncadd.s32 $0xFFFF2000  }
0x7b: {  	[hbm4b:s21+s2] =	stream.linear.scatter [tilespmem:s10], [sflag:$0x3], $0xE000, $0x38;
	[tilespmem:$0x1C200] =	vst v63  }
0x7c: {  	_ =	swait.ge [sflag:s12], $0xE000  }
0x7d: {  	[sflag:s12] =	ssyncset.done $0x0  }
0x7e: {  	[sflag:s12] =	ssyncadd.s32 $0xFFFF2000  }
0x7f: {  	[tilespmem:s7], [sflag:$0x1] =	stream.indirect.gather [hbm4b:s5+s6], $0x400, s22, s6, $0xb8;
	[tilespmem:$0x1C200] =	vst v63  }
0x80: {  	_ =	swait.ge [sflag:s8], $0xE000  }
0x81: {  	[sflag:s8] =	ssyncset.done $0x0  }
0x82: {  	[sflag:s8] =	ssyncadd.s32 $0xFFFF2000  }
0x83: {  	[hbm4b:s23+s2] =	stream.linear.scatter [tilespmem:s7], [sflag:$0x2], $0xE000, $0x38;
	[tilespmem:$0x1C200] =	vst v63  }
0x84: {  	_ =	swait.ge [sflag:s14], $0xE000  }
0x85: {  	[sflag:s14] =	ssyncset.done $0x0  }
0x86: {  	[sflag:s14] =	ssyncadd.s32 $0xFFFF2000  }
0x87: {  	[tilespmem:s10], [sflag:$0x1] =	stream.indirect.gather [hbm4b:s5+s6], $0x400, s24, s6, $0xb8;
	[tilespmem:$0x1C200] =	vst v63  }
0x88: {  	_ =	swait.ge [sflag:s8], $0xE000  }
0x89: {  	[sflag:s8] =	ssyncset.done $0x0  }
0x8a: {  	[sflag:s8] =	ssyncadd.s32 $0xFFFF2000  }
0x8b: {  	[hbm4b:s25+s2] =	stream.linear.scatter [tilespmem:s10], [sflag:$0x3], $0xE000, $0x38;
	[tilespmem:$0x1C200] =	vst v63  }
.Ltmp1:
0x8c: {  	_ =	swait.ge [sflag:s12], $0xE000;
	(pc) =	sbr.rel @p0 .LBB2_1-.Ltmp1, $4  }
0x8d: {  	[sflag:s12] =	ssyncset.done $0x0  }
0x8e: {  	[sflag:s12] =	ssyncadd.s32 $0xFFFF2000  }
0x8f: {  	_ =	swait.ge [sflag:s14], $0xE000  }
0x90: {  	[sflag:s14] =	ssyncset.done $0x0  }
.LBB2_2:
0x91: {  	[sflag:s14] =	ssyncadd.s32 $0xFFFF2000  }
0x92: {  	_ =	sfence.sel $0x180000  }
0x93: {  	[bflag:$0x0] =	sbarrier.arrive $0xFFFF  }
0x94: {  	p0 =	sne.s32 s0, $0x0;
	_ =	strace $0x9000004D  }
0x95: {  	s0 =	sadd.s32 @!p0 $0x100000, s1;
	[bflag:$0x2] =	sbarrier.arrive $0xFFFF  }
0x96: {  	[sflag:s0] =	ssyncadd.tile.s32 @!p0 $0x1;
	_ =	shalt  }
.Lfunc_end2:
_tile_overlayer_lowered:
.L_overlay_start_2:
0x97: {  	(tag) =	ssettag $0x2  }
0x98: {  	s0 =	rddreg [dreg:$0x0];
	s2 =	stileid.u32  }
0x99: {  	s1 =	rddreg [dreg:$0x1];
	p0 =	sne.s32 s2, $0x0  }
0x9a: {  	s3 =	rddreg [dreg:$0x2];
	[bflag:$0x3] =	sbarrier.arrive $0xFFFF;
	s2 =	simm.s32 @!p0 $0x1C04  }
0x9b: {  	[timem:s3], [sflag:s2] =	dma.local @!p0 [hbm:s0], s1  }
0x9c: {  	s0 =	simm.s32 @!p0 $0x4  }
0x9d: {  	_ =	swait.ge @!p0 [sflag:s0], s1  }
0x9e: {  	s1 =	ssub.s32 @!p0 $0x0, s1;
	[sflag:s0] =	ssyncset.done @!p0 $0x0  }
0x9f: {  	[sflag:s0] =	ssyncadd.s32 @!p0 s1  }
0xa0: {  	[bflag:$0x3] =	sbarrier.arrive $0xFFFF  }
0xa1: {  	_ =	shalt  }

// kernel: kernel.13.cloned.1.call-start
scs
__scs_entry_jumppad:
0x0: {  	(pc) =	sbr.rel $0x88, $3  }
0x1: {  	(tag) =	ssettag $0x0;
	lr =	simm.s32 $0x1  }
0x2: {  	[smem:$0x3F9D] =	sst lr;
	_ =	strace $0xD0000000  }
0x3: {  	_ = 	snop  }
0x4: {  	_ = 	snop  }
0x5: {  	_ = 	snop  }
0x6: {  	_ = 	snop  }
0x7: {  	_ = 	snop  }
__scs_overlays_trampoline_lowered:
0x8: {  	[smem:$0x3FAC] =	sst s0  }
0x9: {  	[smem:$0x3FAD] =	sst s1  }
0xa: {  	[smem:$0x3FAE] =	sst s2  }
0xb: {  	[smem:$0x3FAF] =	sst s3  }
0xc: {  	[smem:$0x3FB0] =	sst s4  }
0xd: {  	[smem:$0x3FB1] =	sst s5  }
0xe: {  	[smem:$0x3FB2] =	sst s6  }
0xf: {  	[smem:$0x3FB3] =	sst s7  }
0x10: {  	[smem:$0x3FB4] =	sst s8  }
0x11: {  	[smem:$0x3FB5] =	sst s9;
	s0 =	simm.s32 @!p0 $0x0  }
0x12: {  	s1 =	sld [smem:$0x3F9B];
	s0 =	simm.s32 @p0 $0x1  }
0x13: {  	[smem:$0x3FB6] =	sst s0;
	s0 =	simm.s32 @!p1 $0x0  }
0x14: {  	s2 =	sld [smem:$0x3F9A];
	s0 =	simm.s32 @p1 $0x1  }
0x15: {  	[smem:$0x3FB7] =	sst s0;
	s0 =	simm.s32 @!p2 $0x0  }
0x16: {  	s3 =	sld [smem:$0x3FDB];
	s0 =	simm.s32 @p2 $0x1  }
0x17: {  	s4 =	simm.s32 $0x1BF5;
	[smem:$0x3FB9] =	sst s0  }
0x18: {  	s0 =	sld [smem:$0x3F9C];
	_ =	swait.ge [sflag:s4], $0x0  }
0x19: {  	s7 =	sld [smem:$0x3F9D]  }
0x1a: {  	s8 =	sadd.s32 $0xFFFFE003, lr  }
0x1b: {  	s9 =	sadd.s32 $0xFFFFFEF7, lr;
	s5 =	simm.s32 $0xFFFFFFFF;
	p2 =	slt.u32 s8, $0xFFFFF086  }
0x1c: {  	p1 =	slt.u32 s9, $0xF7A;
	s5 =	simm.s32 @!p2 $0x0  }
0x1d: {  	s5 =	simm.s32 @p1 $0x1;
	p0 =	seq.s32 s7, s2  }
0x1e: {  	s7 =	smul.u32 @!p0 $0xF7A, s2;
	p2 =	seq.s32 @!p0 s5, $0x0  }
0x1f: {  	s9 =	smul.u32 $0xF7A, s1;
	s8 =	simm.s32 @!p0 $0x1BF5;
	p2 =	por !p2, p0  }
0x20: {  	[sflag:s8] =	ssyncset.s32 @!p0 $0xFFFFF086;
	s6 =	sadd.s32 @!p0 s3, s7;
	s7 =	simm.s32 @!p0 $0x108  }
0x21: {  	s3 =	sadd.s32 s3, s9;
	s6 =	sadd.s32 @!p0 $0x88, s6;
	s7 =	simm.s32 @p2 $0x1082  }
0x22: {  	[simem:s7], [sflag:s8] =	dma.local @!p0 [hbm:s6], $0xF7A  }
0x23: {  	s9 =	sor.u32 $0xD0000000, s2;
	s6 =	simm.s32 $0x108;
	_ =	swait.ge @!p0 [sflag:s8], $0x0  }
0x24: {  	s3 =	sadd.s32 $0x88, s3;
	s6 =	simm.s32 @!p1 $0x1082;
	[sflag:s4] =	ssyncset.s32 $0xFFFFF086  }
0x25: {  	[simem:s6], [sflag:s4] =	dma.local [hbm:s3], $0xF7A  }
0x26: {  	[smem:$0x3F9D] =	sst s1;
	(tag) =	ssettag s2;
	_ =	strace s9  }
0x27: {  	s1 =	sld [smem:$0x3FAD]  }
0x28: {  	s2 =	sld [smem:$0x3FAE]  }
0x29: {  	s4 =	sld [smem:$0x3FB0]  }
0x2a: {  	p0 =	seq.s32 s5, $0x0;
	s5 =	sld [smem:$0x3FB1]  }
0x2b: {  	s6 =	sld [smem:$0x3FB2]  }
0x2c: {  	s7 =	sld [smem:$0x3FB3]  }
0x2d: {  	s3 =	simm.s32 $0x108;
	s8 =	sld [smem:$0x3FB4]  }
0x2e: {  	s3 =	simm.s32 @!p0 $0x1082;
	s9 =	sld [smem:$0x3FB5]  }
0x2f: {  	lr =	sadd.s32 s0, s3;
	s0 =	sld [smem:$0x3FAC]  }
0x30: {  	s3 =	sld [smem:$0x3FAF]  }
0x31: {  	[smem:$0x3FB8] =	sst s10  }
0x32: {  	s10 =	sld [smem:$0x3FB6];
	_ =	sdelay $0x3  }
0x33: {  	p0 =	seq.s32 s10, $0x1;
	s10 =	sld [smem:$0x3FB8];
	_ =	sdelay $0x3  }
0x34: {  	[smem:$0x3FB8] =	sst s10  }
0x35: {  	s10 =	sld [smem:$0x3FB7];
	_ =	sdelay $0x3  }
0x36: {  	p1 =	seq.s32 s10, $0x1;
	s10 =	sld [smem:$0x3FB8];
	_ =	sdelay $0x3  }
0x37: {  	[smem:$0x3FB8] =	sst s10  }
0x38: {  	s10 =	sld [smem:$0x3FB9]  }
0x39: {  	_ = 	snop;
	(pc) =	sbr.ind lr, $3  }
0x3a: {  	_ = 	snop  }
0x3b: {  	_ = 	snop  }
0x3c: {  	p2 =	seq.s32 s10, $0x1;
	s10 =	sld [smem:$0x3FB8]  }
0x3d: {  	_ =	shalt  }
0x3e: {  	_ =	shalt  }
0x3f: {  	_ =	shalt  }
0x40: {  	_ =	shalt  }
0x41: {  	_ =	shalt  }
0x42: {  	_ =	shalt  }
0x43: {  	_ =	shalt  }
0x44: {  	_ =	shalt  }
0x45: {  	_ =	shalt  }
0x46: {  	_ =	shalt  }
0x47: {  	_ =	shalt  }
0x48: {  	_ =	shalt  }
0x49: {  	_ =	shalt  }
0x4a: {  	_ =	shalt  }
0x4b: {  	_ =	shalt  }
0x4c: {  	_ =	shalt  }
0x4d: {  	_ =	shalt  }
0x4e: {  	_ =	shalt  }
0x4f: {  	_ =	shalt  }
0x50: {  	_ =	shalt  }
0x51: {  	_ =	shalt  }
0x52: {  	_ =	shalt  }
0x53: {  	_ =	shalt  }
0x54: {  	_ =	shalt  }
0x55: {  	_ =	shalt  }
0x56: {  	_ =	shalt  }
0x57: {  	_ =	shalt  }
0x58: {  	_ =	shalt  }
0x59: {  	_ =	shalt  }
0x5a: {  	_ =	shalt  }
0x5b: {  	_ =	shalt  }
0x5c: {  	_ =	shalt  }
0x5d: {  	_ =	shalt  }
0x5e: {  	_ =	shalt  }
0x5f: {  	_ =	shalt  }
0x60: {  	_ =	shalt  }
0x61: {  	_ =	shalt  }
0x62: {  	_ =	shalt  }
0x63: {  	_ =	shalt  }
0x64: {  	_ =	shalt  }
0x65: {  	_ =	shalt  }
0x66: {  	_ =	shalt  }
0x67: {  	_ =	shalt  }
0x68: {  	_ =	shalt  }
0x69: {  	_ =	shalt  }
0x6a: {  	_ =	shalt  }
0x6b: {  	_ =	shalt  }
0x6c: {  	_ =	shalt  }
0x6d: {  	_ =	shalt  }
0x6e: {  	_ =	shalt  }
0x6f: {  	_ =	shalt  }
0x70: {  	_ =	shalt  }
0x71: {  	_ =	shalt  }
0x72: {  	_ =	shalt  }
0x73: {  	_ =	shalt  }
0x74: {  	_ =	shalt  }
0x75: {  	_ =	shalt  }
0x76: {  	_ =	shalt  }
0x77: {  	_ =	shalt  }
0x78: {  	_ =	shalt  }
0x79: {  	_ =	shalt  }
0x7a: {  	_ =	shalt  }
0x7b: {  	_ =	shalt  }
0x7c: {  	_ =	shalt  }
0x7d: {  	_ =	shalt  }
0x7e: {  	_ =	shalt  }
0x7f: {  	_ =	shalt  }
0x80: {  	_ =	shalt  }
0x81: {  	_ =	shalt  }
0x82: {  	_ =	shalt  }
0x83: {  	_ =	shalt  }
0x84: {  	_ =	shalt  }
0x85: {  	_ =	shalt  }
0x86: {  	_ =	shalt  }
0x87: {  	_ =	shalt  }
.Lfunc_end0:
.L_simem_size_0:
called_computation.2_lowered:
.L_overlay_start_0:
0x88: {  	s2 =	sld [smem:$0x3FD9]  }
0x89: {  	s3 =	sld [smem:$0x3FFE];
	_ =	sdelay $0x1  }
0x8a: {  	s1 =	srdreg.scid  }
0x8b: {  	s0 =	sand.u32 $0x1, s1  }
0x8c: {  	s17 =	sshll.u32 s0, $0xA;
	s2 =	sadd.s32 s3, s2  }
0x8d: {  	s2 =	sadd.s32 s2, s17  }
0x8e: {  	[smem:$0x3FC4] =	sst s2  }
0x8f: {  	_ = 	snop  }
0x90: {  	(tm) =	ssettm $0x1  }
0x91: {  	s18 =	sld [smem:$0x3FFB];
	_ =	sdelay $0x3  }
0x92: {  	_ =	strace s18  }
0x93: {  	s2 =	sld [smem:$0x3FFC];
	_ =	sdelay $0x3  }
0x94: {  	_ =	strace s2  }
0x95: {  	s2 =	sld [smem:$0x3FFD];
	_ =	sdelay $0x3  }
0x96: {  	_ =	strace s2  }
0x97: {  	_ =	strace $0x8FFFFFFF  }
0x98: {  	s19 =	sld [smem:$0x3FDB];
	_ =	sdelay $0x1  }
0x99: {  	s20 =	simm.s32 $_scs_section_size  }
0x9a: {  	s4 =	simm.s32 $_size__tile_overlayer_lowered;
	s5 =	simm.s32 $_tile_overlayer_lowered  }
0x9b: {  	s6 =	simm.s32 $0x1BFF;
	s21 =	sshll.u32 s5, $0x1;
	s3 =	sadd.s32 s20, s19  }
0x9c: {  	s22 =	simm.s32 $0x0;
	s4 =	sshll.u32 s4, $0x1;
	s5 =	sadd.s32 s21, s3  }
0x9d: {  	[timem:s22], [sflag:s6] =	dma.local [hbm:s5], s4  }
0x9e: {  	_ =	swait.ge [sflag:s6], s4  }
0x9f: {  	s4 =	ssub.s32 $0x0, s4;
	[sflag:s6] =	ssyncset.done $0x0  }
0xa0: {  	[sflag:s6] =	ssyncadd.s32 s4;
	_ =	sdelay $0x1  }
0xa1: {  	s23 =	simm.s32 $0x1B8B  }
0xa2: {  	_ =	swait.ge [sflag:s23], $0x1  }
0xa3: {  	[sflag:s23] =	ssyncset.done $0x0  }
0xa4: {  	[sflag:s23] =	ssyncadd.s32 $0xFFFFFFFF  }
0xa5: {  	s4 =	sld [smem:$0x0]  }
0xa6: {  	s5 =	sand.u32 $0xFFFFFFFE, s1  }
0xa7: {  	p0 =	sne.s32 s1, s5  }
0xa8: {  	s5 =	sshll.u32 @p0 s5, $0xE  }
0xa9: {  	s5 =	sadd.s32 @p0 $0x11B8D, s5;
	s6 =	sshll.u32 @p0 s4, $0x11  }
0xaa: {  	s5 =	sor.u32 @p0 s6, s5  }
0xab: {  	[sflag:s5] =	ssyncadd.remote.s32 @p0 $0x1;
	_ =	sdelay $0x1  }
0xac: {  	s5 =	simm.s32 @p0 $0x1B8D  }
0xad: {  	_ =	swait.eq @p0 [sflag:s5], $0x1  }
0xae: {  	[sflag:s5] =	ssyncadd.s32 @p0 $0xFFFFFFFF  }
0xaf: {  	s6 =	sshll.u32 @!p0 s1, $0xE  }
0xb0: {  	s6 =	sor.u32 @!p0 $0x4000, s6;
	s5 =	simm.s32 @!p0 $0x1B8D  }
0xb1: {  	s4 =	sshll.u32 @!p0 s4, $0x11;
	s6 =	sadd.s32 @!p0 $0x11B8D, s6;
	_ =	swait.eq @!p0 [sflag:s5], $0x1  }
0xb2: {  	s4 =	sor.u32 @!p0 s4, s6;
	[sflag:s5] =	ssyncadd.s32 @!p0 $0xFFFFFFFF  }
0xb3: {  	s25 =	simm.s32 $0x1B8E;
	s24 =	sld [smem:$0x3FFE];
	[sflag:s4] =	ssyncadd.remote.s32 @!p0 $0x1  }
0xb4: {  	s26 =	simm.s32 $execute0_lowered;
	[smem:$0x3FD2] =	sst s25  }
0xb5: {  	s5 =	sshll.u32 s26, $0x1;
	_ =	strace $0x80000049;
	[dreg:$0x1] =	wrdreg $0xFFFFFFFF  }
0xb6: {  	s28 =	simm.s32 $_size_execute0_lowered;
	s3 =	sadd.s32 s3, s5;
	[dreg:$0x0] =	wrdreg $0x0  }
0xb7: {  	s5 =	sshll.u32 s28, $0x1;
	[dreg:$0x2] =	wrdreg s3  }
0xb8: {  	[dreg:$0x3] =	wrdreg s5  }
0xb9: {  	[dreg:$0x4] =	wrdreg $0xC0  }
0xba: {  	_ =	task [dreg:s22], $0x5FFFF  }
0xbb: {  	[dreg:$0x1] =	wrdreg $0xFFFFFFFF  }
0xbc: {  	[dreg:$0x0] =	wrdreg $0x60  }
0xbd: {  	[dreg:$0x2] =	wrdreg s24  }
0xbe: {  	[dreg:$0x3] =	wrdreg $0xB  }
0xbf: {  	_ =	task.clear_ibuf [dreg:s22], $0x4FFFF;
	_ =	strace $0x90000049  }
0xc0: {  	s29 =	simm.s32 $0xB;
	_ =	strace $0x8000004B  }
0xc1: {  	_ =	swait.ge [sflag:s29], $0x1  }
0xc2: {  	[sflag:s29] =	ssyncadd.s32 $0xFFFFFFFF  }
0xc3: {  	_ =	strace $0x9000004B  }
0xc4: {  	_ =	sfence  }
0xc5: {  	s30 =	sld [smem:$0x0];
	_ =	sdelay $0x2  }
0xc6: {  	s31 =	sshll.u32 s1, $0xD;
	s1 =	sshrl.u32 s1, $0x2  }
0xc7: {  	s4 =	sand.u32 $0x4000, s31;
	s1 =	sadd.s32 s1, s30  }
0xc8: {  	s0 =	sor.u32 s4, s0;
	s1 =	sshll.u32 s1, $0x11  }
0xc9: {  	s0 =	sor.u32 s1, s0  }
0xca: {  	s0 =	sadd.s32 $0x8F2B, s0  }
0xcb: {  	[sflag:s0] =	ssyncadd.remote.s32 $0x1  }
0xcc: {  	_ =	sfence.sel $0xFFFF  }
0xcd: {  	[dreg:$0x0] =	wrdreg $0xFFFFFFFF;
	(pc) =	sbr.abs _section_cstart, $3  }
0xce: {  	[dreg:$0x1] =	wrdreg $0xFFFFFFFF  }
0xcf: {  	_ =	task.clear_ibuf [dreg:s22], $0x2FFFF;
	_ =	strace $0x9FFFFFFF  }
0xd0: {  	(tm) =	ssettm $0x7FFFFFFF  }
0xd1: {  	_ =	shalt  }
tec
execute0_lowered:
.L_overlay_start_1:
0x0: {  	(tag) =	ssettag $0x1  }
0x1: {  	s1 =	srdreg.scid;
	s0 =	stileid.u32  }
0x2: {  	s25 =	sand.u32 $0x1, s1;
	s30 =	sshll.u32 s0, $0x1  }
0x3: {  	s6 =	sor.u32 s25, s30  }
0x4: {  	s3 =	smul.u32 $0x38, s6  }
0x5: {  	s9 =	rddreg [dreg:$0x0];
	s2 =	simm.s32 $0x0  }
0x6: {  	s4 =	simm.s32 $0x4;
	[smem:$0x7FF] =	sst s2;
	s3 =	sadd.s32 s3, s9  }
0x7: {  	s1 =	rddreg [dreg:$0x1];
	_ =	strace $0x8000004A;
	s3 =	sadd.s32 $0x1600, s3  }
0x8: {  	[tilespmem:s2], [sflag:$0x4] =	stream.linear.gather [hbm4b:s3+s2], $0x1C0, $0x38;
	[tilespmem:$0x1C200] =	vst v63  }
0x9: {  	s7 =	simm.s32 $0x200;
	_ =	swait.ge [sflag:s4], $0x1C0  }
0xa: {  	s8 =	simm.s32 $0x1;
	s5 =	sadd.s32 $0x2600, s9;
	[sflag:s4] =	ssyncset.done $0x0  }
0xb: {  	s10 =	smul.u32 $0xE000, s6;
	s6 =	simm.s32 $0x38;
	[sflag:s4] =	ssyncadd.s32 $0xFFFFFE40  }
0xc: {  	[tilespmem:s7], [sflag:$0x1] =	stream.indirect.gather [hbm4b:s5+s6], $0x400, s2, s6, $0xb8;
	[tilespmem:$0x1C200] =	vst v63  }
0xd: {  	_ =	swait.ge [sflag:s8], $0xE000  }
0xe: {  	s26 =	sadd.s32 s10, s9;
	[sflag:s8] =	ssyncset.done $0x0  }
0xf: {  	s9 =	sadd.s32 $0x1E1A00, s26;
	[sflag:s8] =	ssyncadd.s32 $0xFFFF2000  }
0x10: {  	[hbm4b:s9+s2] =	stream.linear.scatter [tilespmem:s7], [sflag:$0x2], $0xE000, $0x38;
	[tilespmem:$0x1C200] =	vst v63  }
0x11: {  	s10 =	simm.s32 $0xE200  }
0x12: {  	[tilespmem:s10], [sflag:$0x1] =	stream.indirect.gather [hbm4b:s5+s6], $0x400, s6, s6, $0xb8;
	[tilespmem:$0x1C200] =	vst v63  }
0x13: {  	_ =	swait.ge [sflag:s8], $0xE000  }
0x14: {  	[sflag:s8] =	ssyncset.done $0x0  }
0x15: {  	s12 =	simm.s32 $0x2;
	s11 =	sadd.s32 $0x1E3600, s26;
	[sflag:s8] =	ssyncadd.s32 $0xFFFF2000  }
0x16: {  	[hbm4b:s11+s2] =	stream.linear.scatter [tilespmem:s10], [sflag:$0x3], $0xE000, $0x38;
	[tilespmem:$0x1C200] =	vst v63  }
0x17: {  	_ =	swait.ge [sflag:s12], $0xE000  }
0x18: {  	[sflag:s12] =	ssyncset.done $0x0  }
0x19: {  	s13 =	simm.s32 $0x70;
	[sflag:s12] =	ssyncadd.s32 $0xFFFF2000  }
0x1a: {  	[tilespmem:s7], [sflag:$0x1] =	stream.indirect.gather [hbm4b:s5+s6], $0x400, s13, s6, $0xb8;
	[tilespmem:$0x1C200] =	vst v63  }
0x1b: {  	_ =	swait.ge [sflag:s8], $0xE000  }
0x1c: {  	[sflag:s8] =	ssyncset.done $0x0  }
0x1d: {  	s14 =	simm.s32 $0x3;
	s15 =	sadd.s32 $0x1E5200, s26;
	[sflag:s8] =	ssyncadd.s32 $0xFFFF2000  }
0x1e: {  	[hbm4b:s15+s2] =	stream.linear.scatter [tilespmem:s7], [sflag:$0x2], $0xE000, $0x38;
	[tilespmem:$0x1C200] =	vst v63  }
0x1f: {  	_ =	swait.ge [sflag:s14], $0xE000  }
0x20: {  	[sflag:s14] =	ssyncset.done $0x0  }
0x21: {  	s16 =	simm.s32 $0xA8;
	[sflag:s14] =	ssyncadd.s32 $0xFFFF2000  }
0x22: {  	[tilespmem:s10], [sflag:$0x1] =	stream.indirect.gather [hbm4b:s5+s6], $0x400, s16, s6, $0xb8;
	[tilespmem:$0x1C200] =	vst v63  }
0x23: {  	_ =	swait.ge [sflag:s8], $0xE000  }
0x24: {  	[sflag:s8] =	ssyncset.done $0x0  }
0x25: {  	s17 =	sadd.s32 $0x1E6E00, s26;
	[sflag:s8] =	ssyncadd.s32 $0xFFFF2000  }
0x26: {  	[hbm4b:s17+s2] =	stream.linear.scatter [tilespmem:s10], [sflag:$0x3], $0xE000, $0x38;
	[tilespmem:$0x1C200] =	vst v63  }
0x27: {  	_ =	swait.ge [sflag:s12], $0xE000  }
0x28: {  	[sflag:s12] =	ssyncset.done $0x0  }
0x29: {  	s18 =	simm.s32 $0xE0;
	[sflag:s12] =	ssyncadd.s32 $0xFFFF2000  }
0x2a: {  	[tilespmem:s7], [sflag:$0x1] =	stream.indirect.gather [hbm4b:s5+s6], $0x400, s18, s6, $0xb8;
	[tilespmem:$0x1C200] =	vst v63  }
0x2b: {  	_ =	swait.ge [sflag:s8], $0xE000  }
0x2c: {  	[sflag:s8] =	ssyncset.done $0x0  }
0x2d: {  	s19 =	sadd.s32 $0x1E8A00, s26;
	[sflag:s8] =	ssyncadd.s32 $0xFFFF2000  }
0x2e: {  	[hbm4b:s19+s2] =	stream.linear.scatter [tilespmem:s7], [sflag:$0x2], $0xE000, $0x38;
	[tilespmem:$0x1C200] =	vst v63  }
0x2f: {  	_ =	swait.ge [sflag:s14], $0xE000  }
0x30: {  	[sflag:s14] =	ssyncset.done $0x0  }
0x31: {  	s20 =	simm.s32 $0x118;
	[sflag:s14] =	ssyncadd.s32 $0xFFFF2000  }
0x32: {  	[tilespmem:s10], [sflag:$0x1] =	stream.indirect.gather [hbm4b:s5+s6], $0x400, s20, s6, $0xb8;
	[tilespmem:$0x1C200] =	vst v63  }
0x33: {  	_ =	swait.ge [sflag:s8], $0xE000  }
0x34: {  	[sflag:s8] =	ssyncset.done $0x0  }
0x35: {  	s21 =	sadd.s32 $0x1EA600, s26;
	[sflag:s8] =	ssyncadd.s32 $0xFFFF2000  }
0x36: {  	[hbm4b:s21+s2] =	stream.linear.scatter [tilespmem:s10], [sflag:$0x3], $0xE000, $0x38;
	[tilespmem:$0x1C200] =	vst v63  }
0x37: {  	_ =	swait.ge [sflag:s12], $0xE000  }
0x38: {  	[sflag:s12] =	ssyncset.done $0x0  }
0x39: {  	s22 =	simm.s32 $0x150;
	[sflag:s12] =	ssyncadd.s32 $0xFFFF2000  }
0x3a: {  	[tilespmem:s7], [sflag:$0x1] =	stream.indirect.gather [hbm4b:s5+s6], $0x400, s22, s6, $0xb8;
	[tilespmem:$0x1C200] =	vst v63  }
0x3b: {  	_ =	swait.ge [sflag:s8], $0xE000  }
0x3c: {  	[sflag:s8] =	ssyncset.done $0x0  }
0x3d: {  	s23 =	sadd.s32 $0x1EC200, s26;
	[sflag:s8] =	ssyncadd.s32 $0xFFFF2000  }
0x3e: {  	[hbm4b:s23+s2] =	stream.linear.scatter [tilespmem:s7], [sflag:$0x2], $0xE000, $0x38;
	[tilespmem:$0x1C200] =	vst v63  }
0x3f: {  	_ =	swait.ge [sflag:s14], $0xE000  }
0x40: {  	s28 =	ssub.s32 $0x2, s25;
	[sflag:s14] =	ssyncset.done $0x0  }
0x41: {  	s24 =	simm.s32 $0x188;
	s31 =	sshrl.u32 s28, $0x1;
	[sflag:s14] =	ssyncadd.s32 $0xFFFF2000  }
0x42: {  	[tilespmem:s10], [sflag:$0x1] =	stream.indirect.gather [hbm4b:s5+s6], $0x400, s24, s6, $0xb8;
	[tilespmem:$0x1C200] =	vst v63  }
0x43: {  	s25 =	sadd.s32 $0x1EDE00, s26;
	s26 =	ssub.s32 s28, s31;
	_ =	swait.ge [sflag:s8], $0xE000  }
0x44: {  	s26 =	smax.u32 s26, $0x1;
	[sflag:s8] =	ssyncset.done $0x0  }
0x45: {  	p0 =	sne.s32 s26, $0x1;
	[sflag:s8] =	ssyncadd.s32 $0xFFFF2000  }
0x46: {  	[hbm4b:s25+s2] =	stream.linear.scatter [tilespmem:s10], [sflag:$0x3], $0xE000, $0x38;
	[tilespmem:$0x1C200] =	vst v63  }
.Ltmp0:
0x47: {  	_ =	swait.ge [sflag:s12], $0xE000;
	(pc) =	sbr.rel @!p0 .LBB2_2-.Ltmp0, $4  }
0x48: {  	[sflag:s12] =	ssyncset.done $0x0  }
0x49: {  	[sflag:s12] =	ssyncadd.s32 $0xFFFF2000  }
0x4a: {  	_ =	swait.ge [sflag:s14], $0xE000  }
0x4b: {  	s26 =	sadd.s32 $0xFFFFFFFF, s26;
	[sflag:s14] =	ssyncset.done $0x0  }
.LBB2_1:
0x4c: {  	p0 =	sne.s32 s26, $0x1;
	s26 =	sadd.s32 $0xFFFFFFFF, s26;
	[sflag:s14] =	ssyncadd.s32 $0xFFFF2000  }
0x4d: {  	[tilespmem:s2], [sflag:$0x4] =	stream.linear.gather [hbm4b:s3+s2], $0x1C0, $0x38;
	[tilespmem:$0x1C200] =	vst v63  }
0x4e: {  	_ =	swait.ge [sflag:s4], $0x1C0  }
0x4f: {  	[sflag:s4] =	ssyncset.done $0x0  }
0x50: {  	[sflag:s4] =	ssyncadd.s32 $0xFFFFFE40  }
0x51: {  	[tilespmem:s7], [sflag:$0x1] =	stream.indirect.gather [hbm4b:s5+s6], $0x400, s2, s6, $0xb8;
	[tilespmem:$0x1C200] =	vst v63  }
0x52: {  	_ =	swait.ge [sflag:s8], $0xE000  }
0x53: {  	[sflag:s8] =	ssyncset.done $0x0  }
0x54: {  	[sflag:s8] =	ssyncadd.s32 $0xFFFF2000  }
0x55: {  	[hbm4b:s9+s2] =	stream.linear.scatter [tilespmem:s7], [sflag:$0x2], $0xE000, $0x38;
	[tilespmem:$0x1C200] =	vst v63  }
0x56: {  	_ = 	snop  }
0x57: {  	[tilespmem:s10], [sflag:$0x1] =	stream.indirect.gather [hbm4b:s5+s6], $0x400, s6, s6, $0xb8;
	[tilespmem:$0x1C200] =	vst v63  }
0x58: {  	_ =	swait.ge [sflag:s8], $0xE000  }
0x59: {  	[sflag:s8] =	ssyncset.done $0x0  }
0x5a: {  	[sflag:s8] =	ssyncadd.s32 $0xFFFF2000  }
0x5b: {  	[hbm4b:s11+s2] =	stream.linear.scatter [tilespmem:s10], [sflag:$0x3], $0xE000, $0x38;
	[tilespmem:$0x1C200] =	vst v63  }
0x5c: {  	_ =	swait.ge [sflag:s12], $0xE000  }
0x5d: {  	[sflag:s12] =	ssyncset.done $0x0  }
0x5e: {  	[sflag:s12] =	ssyncadd.s32 $0xFFFF2000  }
0x5f: {  	[tilespmem:s7], [sflag:$0x1] =	stream.indirect.gather [hbm4b:s5+s6], $0x400, s13, s6, $0xb8;
	[tilespmem:$0x1C200] =	vst v63  }
0x60: {  	_ =	swait.ge [sflag:s8], $0xE000  }
0x61: {  	[sflag:s8] =	ssyncset.done $0x0  }
0x62: {  	[sflag:s8] =	ssyncadd.s32 $0xFFFF2000  }
0x63: {  	[hbm4b:s15+s2] =	stream.linear.scatter [tilespmem:s7], [sflag:$0x2], $0xE000, $0x38;
	[tilespmem:$0x1C200] =	vst v63  }
0x64: {  	_ =	swait.ge [sflag:s14], $0xE000  }
0x65: {  	[sflag:s14] =	ssyncset.done $0x0  }
0x66: {  	[sflag:s14] =	ssyncadd.s32 $0xFFFF2000  }
0x67: {  	[tilespmem:s10], [sflag:$0x1] =	stream.indirect.gather [hbm4b:s5+s6], $0x400, s16, s6, $0xb8;
	[tilespmem:$0x1C200] =	vst v63  }
0x68: {  	_ =	swait.ge [sflag:s8], $0xE000  }
0x69: {  	[sflag:s8] =	ssyncset.done $0x0  }
0x6a: {  	[sflag:s8] =	ssyncadd.s32 $0xFFFF2000  }
0x6b: {  	[hbm4b:s17+s2] =	stream.linear.scatter [tilespmem:s10], [sflag:$0x3], $0xE000, $0x38;
	[tilespmem:$0x1C200] =	vst v63  }
0x6c: {  	_ =	swait.ge [sflag:s12], $0xE000  }
0x6d: {  	[sflag:s12] =	ssyncset.done $0x0  }
0x6e: {  	[sflag:s12] =	ssyncadd.s32 $0xFFFF2000  }
0x6f: {  	[tilespmem:s7], [sflag:$0x1] =	stream.indirect.gather [hbm4b:s5+s6], $0x400, s18, s6, $0xb8;
	[tilespmem:$0x1C200] =	vst v63  }
0x70: {  	_ =	swait.ge [sflag:s8], $0xE000  }
0x71: {  	[sflag:s8] =	ssyncset.done $0x0  }
0x72: {  	[sflag:s8] =	ssyncadd.s32 $0xFFFF2000  }
0x73: {  	[hbm4b:s19+s2] =	stream.linear.scatter [tilespmem:s7], [sflag:$0x2], $0xE000, $0x38;
	[tilespmem:$0x1C200] =	vst v63  }
0x74: {  	_ =	swait.ge [sflag:s14], $0xE000  }
0x75: {  	[sflag:s14] =	ssyncset.done $0x0  }
0x76: {  	[sflag:s14] =	ssyncadd.s32 $0xFFFF2000  }
0x77: {  	[tilespmem:s10], [sflag:$0x1] =	stream.indirect.gather [hbm4b:s5+s6], $0x400, s20, s6, $0xb8;
	[tilespmem:$0x1C200] =	vst v63  }
0x78: {  	_ =	swait.ge [sflag:s8], $0xE000  }
0x79: {  	[sflag:s8] =	ssyncset.done $0x0  }
0x7a: {  	[sflag:s8] =	ssyncadd.s32 $0xFFFF2000  }
0x7b: {  	[hbm4b:s21+s2] =	stream.linear.scatter [tilespmem:s10], [sflag:$0x3], $0xE000, $0x38;
	[tilespmem:$0x1C200] =	vst v63  }
0x7c: {  	_ =	swait.ge [sflag:s12], $0xE000  }
0x7d: {  	[sflag:s12] =	ssyncset.done $0x0  }
0x7e: {  	[sflag:s12] =	ssyncadd.s32 $0xFFFF2000  }
0x7f: {  	[tilespmem:s7], [sflag:$0x1] =	stream.indirect.gather [hbm4b:s5+s6], $0x400, s22, s6, $0xb8;
	[tilespmem:$0x1C200] =	vst v63  }
0x80: {  	_ =	swait.ge [sflag:s8], $0xE000  }
0x81: {  	[sflag:s8] =	ssyncset.done $0x0  }
0x82: {  	[sflag:s8] =	ssyncadd.s32 $0xFFFF2000  }
0x83: {  	[hbm4b:s23+s2] =	stream.linear.scatter [tilespmem:s7], [sflag:$0x2], $0xE000, $0x38;
	[tilespmem:$0x1C200] =	vst v63  }
0x84: {  	_ =	swait.ge [sflag:s14], $0xE000  }
0x85: {  	[sflag:s14] =	ssyncset.done $0x0  }
0x86: {  	[sflag:s14] =	ssyncadd.s32 $0xFFFF2000  }
0x87: {  	[tilespmem:s10], [sflag:$0x1] =	stream.indirect.gather [hbm4b:s5+s6], $0x400, s24, s6, $0xb8;
	[tilespmem:$0x1C200] =	vst v63  }
0x88: {  	_ =	swait.ge [sflag:s8], $0xE000  }
0x89: {  	[sflag:s8] =	ssyncset.done $0x0  }
0x8a: {  	[sflag:s8] =	ssyncadd.s32 $0xFFFF2000  }
0x8b: {  	[hbm4b:s25+s2] =	stream.linear.scatter [tilespmem:s10], [sflag:$0x3], $0xE000, $0x38;
	[tilespmem:$0x1C200] =	vst v63  }
.Ltmp1:
0x8c: {  	_ =	swait.ge [sflag:s12], $0xE000;
	(pc) =	sbr.rel @p0 .LBB2_1-.Ltmp1, $4  }
0x8d: {  	[sflag:s12] =	ssyncset.done $0x0  }
0x8e: {  	[sflag:s12] =	ssyncadd.s32 $0xFFFF2000  }
0x8f: {  	_ =	swait.ge [sflag:s14], $0xE000  }
0x90: {  	[sflag:s14] =	ssyncset.done $0x0  }
.LBB2_2:
0x91: {  	[sflag:s14] =	ssyncadd.s32 $0xFFFF2000  }
0x92: {  	_ =	sfence.sel $0x180000  }
0x93: {  	[bflag:$0x0] =	sbarrier.arrive $0xFFFF  }
0x94: {  	p0 =	sne.s32 s0, $0x0;
	_ =	strace $0x9000004A  }
0x95: {  	s0 =	sadd.s32 @!p0 $0x100000, s1;
	[bflag:$0x2] =	sbarrier.arrive $0xFFFF  }
0x96: {  	[sflag:s0] =	ssyncadd.tile.s32 @!p0 $0x1;
	_ =	shalt  }
.Lfunc_end2:
_tile_overlayer_lowered:
.L_overlay_start_2:
0x97: {  	(tag) =	ssettag $0x2  }
0x98: {  	s0 =	rddreg [dreg:$0x0];
	s2 =	stileid.u32  }
0x99: {  	s1 =	rddreg [dreg:$0x1];
	p0 =	sne.s32 s2, $0x0  }
0x9a: {  	s3 =	rddreg [dreg:$0x2];
	[bflag:$0x3] =	sbarrier.arrive $0xFFFF;
	s2 =	simm.s32 @!p0 $0x1C04  }
0x9b: {  	[timem:s3], [sflag:s2] =	dma.local @!p0 [hbm:s0], s1  }
0x9c: {  	s0 =	simm.s32 @!p0 $0x4  }
0x9d: {  	_ =	swait.ge @!p0 [sflag:s0], s1  }
0x9e: {  	s1 =	ssub.s32 @!p0 $0x0, s1;
	[sflag:s0] =	ssyncset.done @!p0 $0x0  }
0x9f: {  	[sflag:s0] =	ssyncadd.s32 @!p0 s1  }
0xa0: {  	[bflag:$0x3] =	sbarrier.arrive $0xFFFF  }
0xa1: {  	_ =	shalt  }

// kernel: kernel.16.cloned.1.call-start
scs
__scs_entry_jumppad:
0x0: {  	(pc) =	sbr.rel $0x88, $3  }
0x1: {  	(tag) =	ssettag $0x0;
	lr =	simm.s32 $0x1  }
0x2: {  	[smem:$0x3F9D] =	sst lr;
	_ =	strace $0xD0000000  }
0x3: {  	_ = 	snop  }
0x4: {  	_ = 	snop  }
0x5: {  	_ = 	snop  }
0x6: {  	_ = 	snop  }
0x7: {  	_ = 	snop  }
__scs_overlays_trampoline_lowered:
0x8: {  	[smem:$0x3FAC] =	sst s0  }
0x9: {  	[smem:$0x3FAD] =	sst s1  }
0xa: {  	[smem:$0x3FAE] =	sst s2  }
0xb: {  	[smem:$0x3FAF] =	sst s3  }
0xc: {  	[smem:$0x3FB0] =	sst s4  }
0xd: {  	[smem:$0x3FB1] =	sst s5  }
0xe: {  	[smem:$0x3FB2] =	sst s6  }
0xf: {  	[smem:$0x3FB3] =	sst s7  }
0x10: {  	[smem:$0x3FB4] =	sst s8  }
0x11: {  	[smem:$0x3FB5] =	sst s9;
	s0 =	simm.s32 @!p0 $0x0  }
0x12: {  	s1 =	sld [smem:$0x3F9B];
	s0 =	simm.s32 @p0 $0x1  }
0x13: {  	[smem:$0x3FB6] =	sst s0;
	s0 =	simm.s32 @!p1 $0x0  }
0x14: {  	s2 =	sld [smem:$0x3F9A];
	s0 =	simm.s32 @p1 $0x1  }
0x15: {  	[smem:$0x3FB7] =	sst s0;
	s0 =	simm.s32 @!p2 $0x0  }
0x16: {  	s3 =	sld [smem:$0x3FDB];
	s0 =	simm.s32 @p2 $0x1  }
0x17: {  	s4 =	simm.s32 $0x1BF5;
	[smem:$0x3FB9] =	sst s0  }
0x18: {  	s0 =	sld [smem:$0x3F9C];
	_ =	swait.ge [sflag:s4], $0x0  }
0x19: {  	s7 =	sld [smem:$0x3F9D]  }
0x1a: {  	s8 =	sadd.s32 $0xFFFFE003, lr  }
0x1b: {  	s9 =	sadd.s32 $0xFFFFFEF7, lr;
	s5 =	simm.s32 $0xFFFFFFFF;
	p2 =	slt.u32 s8, $0xFFFFF086  }
0x1c: {  	p1 =	slt.u32 s9, $0xF7A;
	s5 =	simm.s32 @!p2 $0x0  }
0x1d: {  	s5 =	simm.s32 @p1 $0x1;
	p0 =	seq.s32 s7, s2  }
0x1e: {  	s7 =	smul.u32 @!p0 $0xF7A, s2;
	p2 =	seq.s32 @!p0 s5, $0x0  }
0x1f: {  	s9 =	smul.u32 $0xF7A, s1;
	s8 =	simm.s32 @!p0 $0x1BF5;
	p2 =	por !p2, p0  }
0x20: {  	[sflag:s8] =	ssyncset.s32 @!p0 $0xFFFFF086;
	s6 =	sadd.s32 @!p0 s3, s7;
	s7 =	simm.s32 @!p0 $0x108  }
0x21: {  	s3 =	sadd.s32 s3, s9;
	s6 =	sadd.s32 @!p0 $0x88, s6;
	s7 =	simm.s32 @p2 $0x1082  }
0x22: {  	[simem:s7], [sflag:s8] =	dma.local @!p0 [hbm:s6], $0xF7A  }
0x23: {  	s9 =	sor.u32 $0xD0000000, s2;
	s6 =	simm.s32 $0x108;
	_ =	swait.ge @!p0 [sflag:s8], $0x0  }
0x24: {  	s3 =	sadd.s32 $0x88, s3;
	s6 =	simm.s32 @!p1 $0x1082;
	[sflag:s4] =	ssyncset.s32 $0xFFFFF086  }
0x25: {  	[simem:s6], [sflag:s4] =	dma.local [hbm:s3], $0xF7A  }
0x26: {  	[smem:$0x3F9D] =	sst s1;
	(tag) =	ssettag s2;
	_ =	strace s9  }
0x27: {  	s1 =	sld [smem:$0x3FAD]  }
0x28: {  	s2 =	sld [smem:$0x3FAE]  }
0x29: {  	s4 =	sld [smem:$0x3FB0]  }
0x2a: {  	p0 =	seq.s32 s5, $0x0;
	s5 =	sld [smem:$0x3FB1]  }
0x2b: {  	s6 =	sld [smem:$0x3FB2]  }
0x2c: {  	s7 =	sld [smem:$0x3FB3]  }
0x2d: {  	s3 =	simm.s32 $0x108;
	s8 =	sld [smem:$0x3FB4]  }
0x2e: {  	s3 =	simm.s32 @!p0 $0x1082;
	s9 =	sld [smem:$0x3FB5]  }
0x2f: {  	lr =	sadd.s32 s0, s3;
	s0 =	sld [smem:$0x3FAC]  }
0x30: {  	s3 =	sld [smem:$0x3FAF]  }
0x31: {  	[smem:$0x3FB8] =	sst s10  }
0x32: {  	s10 =	sld [smem:$0x3FB6];
	_ =	sdelay $0x3  }
0x33: {  	p0 =	seq.s32 s10, $0x1;
	s10 =	sld [smem:$0x3FB8];
	_ =	sdelay $0x3  }
0x34: {  	[smem:$0x3FB8] =	sst s10  }
0x35: {  	s10 =	sld [smem:$0x3FB7];
	_ =	sdelay $0x3  }
0x36: {  	p1 =	seq.s32 s10, $0x1;
	s10 =	sld [smem:$0x3FB8];
	_ =	sdelay $0x3  }
0x37: {  	[smem:$0x3FB8] =	sst s10  }
0x38: {  	s10 =	sld [smem:$0x3FB9]  }
0x39: {  	_ = 	snop;
	(pc) =	sbr.ind lr, $3  }
0x3a: {  	_ = 	snop  }
0x3b: {  	_ = 	snop  }
0x3c: {  	p2 =	seq.s32 s10, $0x1;
	s10 =	sld [smem:$0x3FB8]  }
0x3d: {  	_ =	shalt  }
0x3e: {  	_ =	shalt  }
0x3f: {  	_ =	shalt  }
0x40: {  	_ =	shalt  }
0x41: {  	_ =	shalt  }
0x42: {  	_ =	shalt  }
0x43: {  	_ =	shalt  }
0x44: {  	_ =	shalt  }
0x45: {  	_ =	shalt  }
0x46: {  	_ =	shalt  }
0x47: {  	_ =	shalt  }
0x48: {  	_ =	shalt  }
0x49: {  	_ =	shalt  }
0x4a: {  	_ =	shalt  }
0x4b: {  	_ =	shalt  }
0x4c: {  	_ =	shalt  }
0x4d: {  	_ =	shalt  }
0x4e: {  	_ =	shalt  }
0x4f: {  	_ =	shalt  }
0x50: {  	_ =	shalt  }
0x51: {  	_ =	shalt  }
0x52: {  	_ =	shalt  }
0x53: {  	_ =	shalt  }
0x54: {  	_ =	shalt  }
0x55: {  	_ =	shalt  }
0x56: {  	_ =	shalt  }
0x57: {  	_ =	shalt  }
0x58: {  	_ =	shalt  }
0x59: {  	_ =	shalt  }
0x5a: {  	_ =	shalt  }
0x5b: {  	_ =	shalt  }
0x5c: {  	_ =	shalt  }
0x5d: {  	_ =	shalt  }
0x5e: {  	_ =	shalt  }
0x5f: {  	_ =	shalt  }
0x60: {  	_ =	shalt  }
0x61: {  	_ =	shalt  }
0x62: {  	_ =	shalt  }
0x63: {  	_ =	shalt  }
0x64: {  	_ =	shalt  }
0x65: {  	_ =	shalt  }
0x66: {  	_ =	shalt  }
0x67: {  	_ =	shalt  }
0x68: {  	_ =	shalt  }
0x69: {  	_ =	shalt  }
0x6a: {  	_ =	shalt  }
0x6b: {  	_ =	shalt  }
0x6c: {  	_ =	shalt  }
0x6d: {  	_ =	shalt  }
0x6e: {  	_ =	shalt  }
0x6f: {  	_ =	shalt  }
0x70: {  	_ =	shalt  }
0x71: {  	_ =	shalt  }
0x72: {  	_ =	shalt  }
0x73: {  	_ =	shalt  }
0x74: {  	_ =	shalt  }
0x75: {  	_ =	shalt  }
0x76: {  	_ =	shalt  }
0x77: {  	_ =	shalt  }
0x78: {  	_ =	shalt  }
0x79: {  	_ =	shalt  }
0x7a: {  	_ =	shalt  }
0x7b: {  	_ =	shalt  }
0x7c: {  	_ =	shalt  }
0x7d: {  	_ =	shalt  }
0x7e: {  	_ =	shalt  }
0x7f: {  	_ =	shalt  }
0x80: {  	_ =	shalt  }
0x81: {  	_ =	shalt  }
0x82: {  	_ =	shalt  }
0x83: {  	_ =	shalt  }
0x84: {  	_ =	shalt  }
0x85: {  	_ =	shalt  }
0x86: {  	_ =	shalt  }
0x87: {  	_ =	shalt  }
.Lfunc_end0:
.L_simem_size_0:
called_computation.3_lowered:
.L_overlay_start_0:
0x88: {  	s2 =	sld [smem:$0x3FD9]  }
0x89: {  	s3 =	sld [smem:$0x3FFE];
	_ =	sdelay $0x1  }
0x8a: {  	s1 =	srdreg.scid  }
0x8b: {  	s0 =	sand.u32 $0x1, s1  }
0x8c: {  	s17 =	sshll.u32 s0, $0xA;
	s2 =	sadd.s32 s3, s2  }
0x8d: {  	s2 =	sadd.s32 s2, s17  }
0x8e: {  	[smem:$0x3FC4] =	sst s2  }
0x8f: {  	_ = 	snop  }
0x90: {  	s2 =	sld [smem:$0x3FD0];
	(tm) =	ssettm $0x1  }
0x91: {  	s18 =	sld [smem:$0x3FFB];
	_ =	sdelay $0x3  }
0x92: {  	_ =	strace s18  }
0x93: {  	s3 =	sld [smem:$0x3FFC];
	_ =	sdelay $0x3  }
0x94: {  	_ =	strace s3  }
0x95: {  	s3 =	sld [smem:$0x3FFD];
	_ =	sdelay $0x3  }
0x96: {  	_ =	strace s3  }
0x97: {  	_ =	strace $0x8FFFFFFF  }
0x98: {  	s19 =	sld [smem:$0x3FDB];
	_ =	sdelay $0x1  }
0x99: {  	s4 =	simm.s32 $_scs_section_size  }
0x9a: {  	s5 =	simm.s32 $_size__tile_overlayer_lowered;
	s6 =	simm.s32 $_tile_overlayer_lowered  }
0x9b: {  	s22 =	simm.s32 $0x1BFF;
	s21 =	sshll.u32 s6, $0x1;
	s3 =	sadd.s32 s4, s19  }
0x9c: {  	s7 =	simm.s32 $0x0;
	s20 =	sshll.u32 s5, $0x1;
	s5 =	sadd.s32 s21, s3  }
0x9d: {  	[timem:s7], [sflag:s22] =	dma.local [hbm:s5], s20  }
0x9e: {  	_ =	swait.ge [sflag:s22], s20  }
0x9f: {  	s4 =	ssub.s32 $0x0, s20;
	[sflag:s22] =	ssyncset.done $0x0  }
0xa0: {  	[sflag:s22] =	ssyncadd.s32 s4;
	_ =	sdelay $0x1  }
0xa1: {  	s23 =	simm.s32 $0x1B8B  }
0xa2: {  	_ =	swait.ge [sflag:s23], $0x1  }
0xa3: {  	[sflag:s23] =	ssyncset.done $0x0  }
0xa4: {  	s25 =	simm.s32 $0x1B8E;
	s24 =	sld [smem:$0x3FFE];
	[sflag:s23] =	ssyncadd.s32 $0xFFFFFFFF  }
0xa5: {  	s26 =	simm.s32 $execute0_lowered;
	[smem:$0x3FD2] =	sst s25  }
0xa6: {  	s5 =	sshll.u32 s26, $0x1;
	_ =	strace $0x80000046;
	[dreg:$0x1] =	wrdreg $0xFFFFFFFF  }
0xa7: {  	s28 =	simm.s32 $_size_execute0_lowered;
	s3 =	sadd.s32 s3, s5;
	[dreg:$0x0] =	wrdreg $0x0  }
0xa8: {  	s5 =	sshll.u32 s28, $0x1;
	[dreg:$0x2] =	wrdreg s3  }
0xa9: {  	[dreg:$0x3] =	wrdreg s5  }
0xaa: {  	[dreg:$0x4] =	wrdreg $0xC0  }
0xab: {  	_ =	task [dreg:s7], $0x5FFFF  }
0xac: {  	[dreg:$0x1] =	wrdreg $0xFFFFFFFF  }
0xad: {  	[dreg:$0x0] =	wrdreg $0x60  }
0xae: {  	[dreg:$0x2] =	wrdreg s24  }
0xaf: {  	[dreg:$0x3] =	wrdreg s2  }
0xb0: {  	[dreg:$0x4] =	wrdreg $0xC  }
0xb1: {  	_ =	task.clear_ibuf [dreg:s7], $0x5FFFF;
	_ =	strace $0x90000046  }
0xb2: {  	s29 =	simm.s32 $0xC;
	_ =	strace $0x80000048  }
0xb3: {  	_ =	swait.ge [sflag:s29], $0x1  }
0xb4: {  	[sflag:s29] =	ssyncadd.s32 $0xFFFFFFFF  }
0xb5: {  	_ =	strace $0x90000048  }
0xb6: {  	_ =	sfence  }
0xb7: {  	s30 =	sld [smem:$0x0];
	_ =	sdelay $0x2  }
0xb8: {  	s31 =	sshll.u32 s1, $0xD;
	s1 =	sshrl.u32 s1, $0x2  }
0xb9: {  	s3 =	sand.u32 $0x4000, s31;
	s1 =	sadd.s32 s1, s30  }
0xba: {  	s0 =	sor.u32 s3, s0;
	s1 =	sshll.u32 s1, $0x11  }
0xbb: {  	s0 =	sor.u32 s1, s0  }
0xbc: {  	s0 =	sadd.s32 $0x8F2B, s0  }
0xbd: {  	[sflag:s0] =	ssyncadd.remote.s32 $0x1  }
0xbe: {  	_ =	sfence.sel $0xFFFF  }
0xbf: {  	[dreg:$0x0] =	wrdreg $0xFFFFFFFF;
	(pc) =	sbr.abs _section_cstart, $3  }
0xc0: {  	[dreg:$0x1] =	wrdreg $0xFFFFFFFF  }
0xc1: {  	_ =	task.clear_ibuf [dreg:s7], $0x2FFFF;
	_ =	strace $0x9FFFFFFF  }
0xc2: {  	(tm) =	ssettm $0x7FFFFFFF  }
0xc3: {  	_ =	shalt  }
tec
execute0_lowered:
.L_overlay_start_1:
0x0: {  	(tag) =	ssettag $0x1  }
0x1: {  	s1 =	srdreg.scid;
	s0 =	stileid.u32  }
0x2: {  	s9 =	rddreg [dreg:$0x0];
	s25 =	sand.u32 $0x1, s1;
	s30 =	sshll.u32 s0, $0x1  }
0x3: {  	s3 =	rddreg [dreg:$0x1];
	s6 =	sor.u32 s25, s30  }
0x4: {  	s2 =	simm.s32 $0x0;
	s1 =	rddreg [dreg:$0x2];
	s4 =	smul.u32 $0x38, s6  }
0x5: {  	[smem:$0x7FF] =	sst s2  }
0x6: {  	_ =	strace $0x80000047;
	s3 =	sadd.s32 s3, s4;
	s4 =	simm.s32 $0x4  }
0x7: {  	[tilespmem:s2], [sflag:$0x4] =	stream.linear.gather [hbm4b:s3+s2], $0x1C0, $0x38;
	[tilespmem:$0x1C200] =	vst v63  }
0x8: {  	s7 =	simm.s32 $0x200;
	_ =	swait.ge [sflag:s4], $0x1C0  }
0x9: {  	s8 =	simm.s32 $0x1;
	s5 =	sadd.s32 $0x2600, s9;
	[sflag:s4] =	ssyncset.done $0x0  }
0xa: {  	s10 =	smul.u32 $0xE000, s6;
	s6 =	simm.s32 $0x38;
	[sflag:s4] =	ssyncadd.s32 $0xFFFFFE40  }
0xb: {  	[tilespmem:s7], [sflag:$0x1] =	stream.indirect.gather [hbm4b:s5+s6], $0x400, s2, s6, $0xb8;
	[tilespmem:$0x1C200] =	vst v63  }
0xc: {  	_ =	swait.ge [sflag:s8], $0xE000  }
0xd: {  	s26 =	sadd.s32 s10, s9;
	[sflag:s8] =	ssyncset.done $0x0  }
0xe: {  	s9 =	sadd.s32 $0x21A00, s26;
	[sflag:s8] =	ssyncadd.s32 $0xFFFF2000  }
0xf: {  	[hbm4b:s9+s2] =	stream.linear.scatter [tilespmem:s7], [sflag:$0x2], $0xE000, $0x38;
	[tilespmem:$0x1C200] =	vst v63  }
0x10: {  	s10 =	simm.s32 $0xE200  }
0x11: {  	[tilespmem:s10], [sflag:$0x1] =	stream.indirect.gather [hbm4b:s5+s6], $0x400, s6, s6, $0xb8;
	[tilespmem:$0x1C200] =	vst v63  }
0x12: {  	_ =	swait.ge [sflag:s8], $0xE000  }
0x13: {  	[sflag:s8] =	ssyncset.done $0x0  }
0x14: {  	s12 =	simm.s32 $0x2;
	s11 =	sadd.s32 $0x23600, s26;
	[sflag:s8] =	ssyncadd.s32 $0xFFFF2000  }
0x15: {  	[hbm4b:s11+s2] =	stream.linear.scatter [tilespmem:s10], [sflag:$0x3], $0xE000, $0x38;
	[tilespmem:$0x1C200] =	vst v63  }
0x16: {  	_ =	swait.ge [sflag:s12], $0xE000  }
0x17: {  	[sflag:s12] =	ssyncset.done $0x0  }
0x18: {  	s13 =	simm.s32 $0x70;
	[sflag:s12] =	ssyncadd.s32 $0xFFFF2000  }
0x19: {  	[tilespmem:s7], [sflag:$0x1] =	stream.indirect.gather [hbm4b:s5+s6], $0x400, s13, s6, $0xb8;
	[tilespmem:$0x1C200] =	vst v63  }
0x1a: {  	_ =	swait.ge [sflag:s8], $0xE000  }
0x1b: {  	[sflag:s8] =	ssyncset.done $0x0  }
0x1c: {  	s14 =	simm.s32 $0x3;
	s15 =	sadd.s32 $0x25200, s26;
	[sflag:s8] =	ssyncadd.s32 $0xFFFF2000  }
0x1d: {  	[hbm4b:s15+s2] =	stream.linear.scatter [tilespmem:s7], [sflag:$0x2], $0xE000, $0x38;
	[tilespmem:$0x1C200] =	vst v63  }
0x1e: {  	_ =	swait.ge [sflag:s14], $0xE000  }
0x1f: {  	[sflag:s14] =	ssyncset.done $0x0  }
0x20: {  	s16 =	simm.s32 $0xA8;
	[sflag:s14] =	ssyncadd.s32 $0xFFFF2000  }
0x21: {  	[tilespmem:s10], [sflag:$0x1] =	stream.indirect.gather [hbm4b:s5+s6], $0x400, s16, s6, $0xb8;
	[tilespmem:$0x1C200] =	vst v63  }
0x22: {  	_ =	swait.ge [sflag:s8], $0xE000  }
0x23: {  	[sflag:s8] =	ssyncset.done $0x0  }
0x24: {  	s17 =	sadd.s32 $0x26E00, s26;
	[sflag:s8] =	ssyncadd.s32 $0xFFFF2000  }
0x25: {  	[hbm4b:s17+s2] =	stream.linear.scatter [tilespmem:s10], [sflag:$0x3], $0xE000, $0x38;
	[tilespmem:$0x1C200] =	vst v63  }
0x26: {  	_ =	swait.ge [sflag:s12], $0xE000  }
0x27: {  	[sflag:s12] =	ssyncset.done $0x0  }
0x28: {  	s18 =	simm.s32 $0xE0;
	[sflag:s12] =	ssyncadd.s32 $0xFFFF2000  }
0x29: {  	[tilespmem:s7], [sflag:$0x1] =	stream.indirect.gather [hbm4b:s5+s6], $0x400, s18, s6, $0xb8;
	[tilespmem:$0x1C200] =	vst v63  }
0x2a: {  	_ =	swait.ge [sflag:s8], $0xE000  }
0x2b: {  	[sflag:s8] =	ssyncset.done $0x0  }
0x2c: {  	s19 =	sadd.s32 $0x28A00, s26;
	[sflag:s8] =	ssyncadd.s32 $0xFFFF2000  }
0x2d: {  	[hbm4b:s19+s2] =	stream.linear.scatter [tilespmem:s7], [sflag:$0x2], $0xE000, $0x38;
	[tilespmem:$0x1C200] =	vst v63  }
0x2e: {  	_ =	swait.ge [sflag:s14], $0xE000  }
0x2f: {  	[sflag:s14] =	ssyncset.done $0x0  }
0x30: {  	s20 =	simm.s32 $0x118;
	[sflag:s14] =	ssyncadd.s32 $0xFFFF2000  }
0x31: {  	[tilespmem:s10], [sflag:$0x1] =	stream.indirect.gather [hbm4b:s5+s6], $0x400, s20, s6, $0xb8;
	[tilespmem:$0x1C200] =	vst v63  }
0x32: {  	_ =	swait.ge [sflag:s8], $0xE000  }
0x33: {  	[sflag:s8] =	ssyncset.done $0x0  }
0x34: {  	s21 =	sadd.s32 $0x2A600, s26;
	[sflag:s8] =	ssyncadd.s32 $0xFFFF2000  }
0x35: {  	[hbm4b:s21+s2] =	stream.linear.scatter [tilespmem:s10], [sflag:$0x3], $0xE000, $0x38;
	[tilespmem:$0x1C200] =	vst v63  }
0x36: {  	_ =	swait.ge [sflag:s12], $0xE000  }
0x37: {  	[sflag:s12] =	ssyncset.done $0x0  }
0x38: {  	s22 =	simm.s32 $0x150;
	[sflag:s12] =	ssyncadd.s32 $0xFFFF2000  }
0x39: {  	[tilespmem:s7], [sflag:$0x1] =	stream.indirect.gather [hbm4b:s5+s6], $0x400, s22, s6, $0xb8;
	[tilespmem:$0x1C200] =	vst v63  }
0x3a: {  	_ =	swait.ge [sflag:s8], $0xE000  }
0x3b: {  	[sflag:s8] =	ssyncset.done $0x0  }
0x3c: {  	s23 =	sadd.s32 $0x2C200, s26;
	[sflag:s8] =	ssyncadd.s32 $0xFFFF2000  }
0x3d: {  	[hbm4b:s23+s2] =	stream.linear.scatter [tilespmem:s7], [sflag:$0x2], $0xE000, $0x38;
	[tilespmem:$0x1C200] =	vst v63  }
0x3e: {  	_ =	swait.ge [sflag:s14], $0xE000  }
0x3f: {  	s28 =	ssub.s32 $0x2, s25;
	[sflag:s14] =	ssyncset.done $0x0  }
0x40: {  	s24 =	simm.s32 $0x188;
	s31 =	sshrl.u32 s28, $0x1;
	[sflag:s14] =	ssyncadd.s32 $0xFFFF2000  }
0x41: {  	[tilespmem:s10], [sflag:$0x1] =	stream.indirect.gather [hbm4b:s5+s6], $0x400, s24, s6, $0xb8;
	[tilespmem:$0x1C200] =	vst v63  }
0x42: {  	s25 =	sadd.s32 $0x2DE00, s26;
	s26 =	ssub.s32 s28, s31;
	_ =	swait.ge [sflag:s8], $0xE000  }
0x43: {  	s26 =	smax.u32 s26, $0x1;
	[sflag:s8] =	ssyncset.done $0x0  }
0x44: {  	p0 =	sne.s32 s26, $0x1;
	[sflag:s8] =	ssyncadd.s32 $0xFFFF2000  }
0x45: {  	[hbm4b:s25+s2] =	stream.linear.scatter [tilespmem:s10], [sflag:$0x3], $0xE000, $0x38;
	[tilespmem:$0x1C200] =	vst v63  }
.Ltmp0:
0x46: {  	_ =	swait.ge [sflag:s12], $0xE000;
	(pc) =	sbr.rel @!p0 .LBB2_2-.Ltmp0, $4  }
0x47: {  	[sflag:s12] =	ssyncset.done $0x0  }
0x48: {  	[sflag:s12] =	ssyncadd.s32 $0xFFFF2000  }
0x49: {  	_ =	swait.ge [sflag:s14], $0xE000  }
0x4a: {  	s26 =	sadd.s32 $0xFFFFFFFF, s26;
	[sflag:s14] =	ssyncset.done $0x0  }
.LBB2_1:
0x4b: {  	p0 =	sne.s32 s26, $0x1;
	s26 =	sadd.s32 $0xFFFFFFFF, s26;
	[sflag:s14] =	ssyncadd.s32 $0xFFFF2000  }
0x4c: {  	[tilespmem:s2], [sflag:$0x4] =	stream.linear.gather [hbm4b:s3+s2], $0x1C0, $0x38;
	[tilespmem:$0x1C200] =	vst v63  }
0x4d: {  	_ =	swait.ge [sflag:s4], $0x1C0  }
0x4e: {  	[sflag:s4] =	ssyncset.done $0x0  }
0x4f: {  	[sflag:s4] =	ssyncadd.s32 $0xFFFFFE40  }
0x50: {  	[tilespmem:s7], [sflag:$0x1] =	stream.indirect.gather [hbm4b:s5+s6], $0x400, s2, s6, $0xb8;
	[tilespmem:$0x1C200] =	vst v63  }
0x51: {  	_ =	swait.ge [sflag:s8], $0xE000  }
0x52: {  	[sflag:s8] =	ssyncset.done $0x0  }
0x53: {  	[sflag:s8] =	ssyncadd.s32 $0xFFFF2000  }
0x54: {  	[hbm4b:s9+s2] =	stream.linear.scatter [tilespmem:s7], [sflag:$0x2], $0xE000, $0x38;
	[tilespmem:$0x1C200] =	vst v63  }
0x55: {  	_ = 	snop  }
0x56: {  	[tilespmem:s10], [sflag:$0x1] =	stream.indirect.gather [hbm4b:s5+s6], $0x400, s6, s6, $0xb8;
	[tilespmem:$0x1C200] =	vst v63  }
0x57: {  	_ =	swait.ge [sflag:s8], $0xE000  }
0x58: {  	[sflag:s8] =	ssyncset.done $0x0  }
0x59: {  	[sflag:s8] =	ssyncadd.s32 $0xFFFF2000  }
0x5a: {  	[hbm4b:s11+s2] =	stream.linear.scatter [tilespmem:s10], [sflag:$0x3], $0xE000, $0x38;
	[tilespmem:$0x1C200] =	vst v63  }
0x5b: {  	_ =	swait.ge [sflag:s12], $0xE000  }
0x5c: {  	[sflag:s12] =	ssyncset.done $0x0  }
0x5d: {  	[sflag:s12] =	ssyncadd.s32 $0xFFFF2000  }
0x5e: {  	[tilespmem:s7], [sflag:$0x1] =	stream.indirect.gather [hbm4b:s5+s6], $0x400, s13, s6, $0xb8;
	[tilespmem:$0x1C200] =	vst v63  }
0x5f: {  	_ =	swait.ge [sflag:s8], $0xE000  }
0x60: {  	[sflag:s8] =	ssyncset.done $0x0  }
0x61: {  	[sflag:s8] =	ssyncadd.s32 $0xFFFF2000  }
0x62: {  	[hbm4b:s15+s2] =	stream.linear.scatter [tilespmem:s7], [sflag:$0x2], $0xE000, $0x38;
	[tilespmem:$0x1C200] =	vst v63  }
0x63: {  	_ =	swait.ge [sflag:s14], $0xE000  }
0x64: {  	[sflag:s14] =	ssyncset.done $0x0  }
0x65: {  	[sflag:s14] =	ssyncadd.s32 $0xFFFF2000  }
0x66: {  	[tilespmem:s10], [sflag:$0x1] =	stream.indirect.gather [hbm4b:s5+s6], $0x400, s16, s6, $0xb8;
	[tilespmem:$0x1C200] =	vst v63  }
0x67: {  	_ =	swait.ge [sflag:s8], $0xE000  }
0x68: {  	[sflag:s8] =	ssyncset.done $0x0  }
0x69: {  	[sflag:s8] =	ssyncadd.s32 $0xFFFF2000  }
0x6a: {  	[hbm4b:s17+s2] =	stream.linear.scatter [tilespmem:s10], [sflag:$0x3], $0xE000, $0x38;
	[tilespmem:$0x1C200] =	vst v63  }
0x6b: {  	_ =	swait.ge [sflag:s12], $0xE000  }
0x6c: {  	[sflag:s12] =	ssyncset.done $0x0  }
0x6d: {  	[sflag:s12] =	ssyncadd.s32 $0xFFFF2000  }
0x6e: {  	[tilespmem:s7], [sflag:$0x1] =	stream.indirect.gather [hbm4b:s5+s6], $0x400, s18, s6, $0xb8;
	[tilespmem:$0x1C200] =	vst v63  }
0x6f: {  	_ =	swait.ge [sflag:s8], $0xE000  }
0x70: {  	[sflag:s8] =	ssyncset.done $0x0  }
0x71: {  	[sflag:s8] =	ssyncadd.s32 $0xFFFF2000  }
0x72: {  	[hbm4b:s19+s2] =	stream.linear.scatter [tilespmem:s7], [sflag:$0x2], $0xE000, $0x38;
	[tilespmem:$0x1C200] =	vst v63  }
0x73: {  	_ =	swait.ge [sflag:s14], $0xE000  }
0x74: {  	[sflag:s14] =	ssyncset.done $0x0  }
0x75: {  	[sflag:s14] =	ssyncadd.s32 $0xFFFF2000  }
0x76: {  	[tilespmem:s10], [sflag:$0x1] =	stream.indirect.gather [hbm4b:s5+s6], $0x400, s20, s6, $0xb8;
	[tilespmem:$0x1C200] =	vst v63  }
0x77: {  	_ =	swait.ge [sflag:s8], $0xE000  }
0x78: {  	[sflag:s8] =	ssyncset.done $0x0  }
0x79: {  	[sflag:s8] =	ssyncadd.s32 $0xFFFF2000  }
0x7a: {  	[hbm4b:s21+s2] =	stream.linear.scatter [tilespmem:s10], [sflag:$0x3], $0xE000, $0x38;
	[tilespmem:$0x1C200] =	vst v63  }
0x7b: {  	_ =	swait.ge [sflag:s12], $0xE000  }
0x7c: {  	[sflag:s12] =	ssyncset.done $0x0  }
0x7d: {  	[sflag:s12] =	ssyncadd.s32 $0xFFFF2000  }
0x7e: {  	[tilespmem:s7], [sflag:$0x1] =	stream.indirect.gather [hbm4b:s5+s6], $0x400, s22, s6, $0xb8;
	[tilespmem:$0x1C200] =	vst v63  }
0x7f: {  	_ =	swait.ge [sflag:s8], $0xE000  }
0x80: {  	[sflag:s8] =	ssyncset.done $0x0  }
0x81: {  	[sflag:s8] =	ssyncadd.s32 $0xFFFF2000  }
0x82: {  	[hbm4b:s23+s2] =	stream.linear.scatter [tilespmem:s7], [sflag:$0x2], $0xE000, $0x38;
	[tilespmem:$0x1C200] =	vst v63  }
0x83: {  	_ =	swait.ge [sflag:s14], $0xE000  }
0x84: {  	[sflag:s14] =	ssyncset.done $0x0  }
0x85: {  	[sflag:s14] =	ssyncadd.s32 $0xFFFF2000  }
0x86: {  	[tilespmem:s10], [sflag:$0x1] =	stream.indirect.gather [hbm4b:s5+s6], $0x400, s24, s6, $0xb8;
	[tilespmem:$0x1C200] =	vst v63  }
0x87: {  	_ =	swait.ge [sflag:s8], $0xE000  }
0x88: {  	[sflag:s8] =	ssyncset.done $0x0  }
0x89: {  	[sflag:s8] =	ssyncadd.s32 $0xFFFF2000  }
0x8a: {  	[hbm4b:s25+s2] =	stream.linear.scatter [tilespmem:s10], [sflag:$0x3], $0xE000, $0x38;
	[tilespmem:$0x1C200] =	vst v63  }
.Ltmp1:
0x8b: {  	_ =	swait.ge [sflag:s12], $0xE000;
	(pc) =	sbr.rel @p0 .LBB2_1-.Ltmp1, $4  }
0x8c: {  	[sflag:s12] =	ssyncset.done $0x0  }
0x8d: {  	[sflag:s12] =	ssyncadd.s32 $0xFFFF2000  }
0x8e: {  	_ =	swait.ge [sflag:s14], $0xE000  }
0x8f: {  	[sflag:s14] =	ssyncset.done $0x0  }
.LBB2_2:
0x90: {  	[sflag:s14] =	ssyncadd.s32 $0xFFFF2000  }
0x91: {  	_ =	sfence.sel $0x180000  }
0x92: {  	[bflag:$0x0] =	sbarrier.arrive $0xFFFF  }
0x93: {  	p0 =	sne.s32 s0, $0x0;
	_ =	strace $0x90000047  }
0x94: {  	s0 =	sadd.s32 @!p0 $0x100000, s1;
	[bflag:$0x2] =	sbarrier.arrive $0xFFFF  }
0x95: {  	[sflag:s0] =	ssyncadd.tile.s32 @!p0 $0x1;
	_ =	shalt  }
.Lfunc_end2:
_tile_overlayer_lowered:
.L_overlay_start_2:
0x96: {  	(tag) =	ssettag $0x2  }
0x97: {  	s0 =	rddreg [dreg:$0x0];
	s2 =	stileid.u32  }
0x98: {  	s1 =	rddreg [dreg:$0x1];
	p0 =	sne.s32 s2, $0x0  }
0x99: {  	s3 =	rddreg [dreg:$0x2];
	[bflag:$0x3] =	sbarrier.arrive $0xFFFF;
	s2 =	simm.s32 @!p0 $0x1C04  }
0x9a: {  	[timem:s3], [sflag:s2] =	dma.local @!p0 [hbm:s0], s1  }
0x9b: {  	s0 =	simm.s32 @!p0 $0x4  }
0x9c: {  	_ =	swait.ge @!p0 [sflag:s0], s1  }
0x9d: {  	s1 =	ssub.s32 @!p0 $0x0, s1;
	[sflag:s0] =	ssyncset.done @!p0 $0x0  }
0x9e: {  	[sflag:s0] =	ssyncadd.s32 @!p0 s1  }
0x9f: {  	[bflag:$0x3] =	sbarrier.arrive $0xFFFF  }
0xa0: {  	_ =	shalt  }

// kernel: kernel.7.cloned.1.call-start
scs
__scs_entry_jumppad:
0x0: {  	(pc) =	sbr.rel $0x88, $3  }
0x1: {  	(tag) =	ssettag $0x0;
	lr =	simm.s32 $0x1  }
0x2: {  	[smem:$0x3F9D] =	sst lr;
	_ =	strace $0xD0000000  }
0x3: {  	_ = 	snop  }
0x4: {  	_ = 	snop  }
0x5: {  	_ = 	snop  }
0x6: {  	_ = 	snop  }
0x7: {  	_ = 	snop  }
__scs_overlays_trampoline_lowered:
0x8: {  	[smem:$0x3FAC] =	sst s0  }
0x9: {  	[smem:$0x3FAD] =	sst s1  }
0xa: {  	[smem:$0x3FAE] =	sst s2  }
0xb: {  	[smem:$0x3FAF] =	sst s3  }
0xc: {  	[smem:$0x3FB0] =	sst s4  }
0xd: {  	[smem:$0x3FB1] =	sst s5  }
0xe: {  	[smem:$0x3FB2] =	sst s6  }
0xf: {  	[smem:$0x3FB3] =	sst s7  }
0x10: {  	[smem:$0x3FB4] =	sst s8  }
0x11: {  	[smem:$0x3FB5] =	sst s9;
	s0 =	simm.s32 @!p0 $0x0  }
0x12: {  	s1 =	sld [smem:$0x3F9B];
	s0 =	simm.s32 @p0 $0x1  }
0x13: {  	[smem:$0x3FB6] =	sst s0;
	s0 =	simm.s32 @!p1 $0x0  }
0x14: {  	s2 =	sld [smem:$0x3F9A];
	s0 =	simm.s32 @p1 $0x1  }
0x15: {  	[smem:$0x3FB7] =	sst s0;
	s0 =	simm.s32 @!p2 $0x0  }
0x16: {  	s3 =	sld [smem:$0x3FDB];
	s0 =	simm.s32 @p2 $0x1  }
0x17: {  	s4 =	simm.s32 $0x1BF5;
	[smem:$0x3FB9] =	sst s0  }
0x18: {  	s0 =	sld [smem:$0x3F9C];
	_ =	swait.ge [sflag:s4], $0x0  }
0x19: {  	s7 =	sld [smem:$0x3F9D]  }
0x1a: {  	s8 =	sadd.s32 $0xFFFFE003, lr  }
0x1b: {  	s9 =	sadd.s32 $0xFFFFFEF7, lr;
	s5 =	simm.s32 $0xFFFFFFFF;
	p2 =	slt.u32 s8, $0xFFFFF086  }
0x1c: {  	p1 =	slt.u32 s9, $0xF7A;
	s5 =	simm.s32 @!p2 $0x0  }
0x1d: {  	s5 =	simm.s32 @p1 $0x1;
	p0 =	seq.s32 s7, s2  }
0x1e: {  	s7 =	smul.u32 @!p0 $0xF7A, s2;
	p2 =	seq.s32 @!p0 s5, $0x0  }
0x1f: {  	s9 =	smul.u32 $0xF7A, s1;
	s8 =	simm.s32 @!p0 $0x1BF5;
	p2 =	por !p2, p0  }
0x20: {  	[sflag:s8] =	ssyncset.s32 @!p0 $0xFFFFF086;
	s6 =	sadd.s32 @!p0 s3, s7;
	s7 =	simm.s32 @!p0 $0x108  }
0x21: {  	s3 =	sadd.s32 s3, s9;
	s6 =	sadd.s32 @!p0 $0x88, s6;
	s7 =	simm.s32 @p2 $0x1082  }
0x22: {  	[simem:s7], [sflag:s8] =	dma.local @!p0 [hbm:s6], $0xF7A  }
0x23: {  	s9 =	sor.u32 $0xD0000000, s2;
	s6 =	simm.s32 $0x108;
	_ =	swait.ge @!p0 [sflag:s8], $0x0  }
0x24: {  	s3 =	sadd.s32 $0x88, s3;
	s6 =	simm.s32 @!p1 $0x1082;
	[sflag:s4] =	ssyncset.s32 $0xFFFFF086  }
0x25: {  	[simem:s6], [sflag:s4] =	dma.local [hbm:s3], $0xF7A  }
0x26: {  	[smem:$0x3F9D] =	sst s1;
	(tag) =	ssettag s2;
	_ =	strace s9  }
0x27: {  	s1 =	sld [smem:$0x3FAD]  }
0x28: {  	s2 =	sld [smem:$0x3FAE]  }
0x29: {  	s4 =	sld [smem:$0x3FB0]  }
0x2a: {  	p0 =	seq.s32 s5, $0x0;
	s5 =	sld [smem:$0x3FB1]  }
0x2b: {  	s6 =	sld [smem:$0x3FB2]  }
0x2c: {  	s7 =	sld [smem:$0x3FB3]  }
0x2d: {  	s3 =	simm.s32 $0x108;
	s8 =	sld [smem:$0x3FB4]  }
0x2e: {  	s3 =	simm.s32 @!p0 $0x1082;
	s9 =	sld [smem:$0x3FB5]  }
0x2f: {  	lr =	sadd.s32 s0, s3;
	s0 =	sld [smem:$0x3FAC]  }
0x30: {  	s3 =	sld [smem:$0x3FAF]  }
0x31: {  	[smem:$0x3FB8] =	sst s10  }
0x32: {  	s10 =	sld [smem:$0x3FB6];
	_ =	sdelay $0x3  }
0x33: {  	p0 =	seq.s32 s10, $0x1;
	s10 =	sld [smem:$0x3FB8];
	_ =	sdelay $0x3  }
0x34: {  	[smem:$0x3FB8] =	sst s10  }
0x35: {  	s10 =	sld [smem:$0x3FB7];
	_ =	sdelay $0x3  }
0x36: {  	p1 =	seq.s32 s10, $0x1;
	s10 =	sld [smem:$0x3FB8];
	_ =	sdelay $0x3  }
0x37: {  	[smem:$0x3FB8] =	sst s10  }
0x38: {  	s10 =	sld [smem:$0x3FB9]  }
0x39: {  	_ = 	snop;
	(pc) =	sbr.ind lr, $3  }
0x3a: {  	_ = 	snop  }
0x3b: {  	_ = 	snop  }
0x3c: {  	p2 =	seq.s32 s10, $0x1;
	s10 =	sld [smem:$0x3FB8]  }
0x3d: {  	_ =	shalt  }
0x3e: {  	_ =	shalt  }
0x3f: {  	_ =	shalt  }
0x40: {  	_ =	shalt  }
0x41: {  	_ =	shalt  }
0x42: {  	_ =	shalt  }
0x43: {  	_ =	shalt  }
0x44: {  	_ =	shalt  }
0x45: {  	_ =	shalt  }
0x46: {  	_ =	shalt  }
0x47: {  	_ =	shalt  }
0x48: {  	_ =	shalt  }
0x49: {  	_ =	shalt  }
0x4a: {  	_ =	shalt  }
0x4b: {  	_ =	shalt  }
0x4c: {  	_ =	shalt  }
0x4d: {  	_ =	shalt  }
0x4e: {  	_ =	shalt  }
0x4f: {  	_ =	shalt  }
0x50: {  	_ =	shalt  }
0x51: {  	_ =	shalt  }
0x52: {  	_ =	shalt  }
0x53: {  	_ =	shalt  }
0x54: {  	_ =	shalt  }
0x55: {  	_ =	shalt  }
0x56: {  	_ =	shalt  }
0x57: {  	_ =	shalt  }
0x58: {  	_ =	shalt  }
0x59: {  	_ =	shalt  }
0x5a: {  	_ =	shalt  }
0x5b: {  	_ =	shalt  }
0x5c: {  	_ =	shalt  }
0x5d: {  	_ =	shalt  }
0x5e: {  	_ =	shalt  }
0x5f: {  	_ =	shalt  }
0x60: {  	_ =	shalt  }
0x61: {  	_ =	shalt  }
0x62: {  	_ =	shalt  }
0x63: {  	_ =	shalt  }
0x64: {  	_ =	shalt  }
0x65: {  	_ =	shalt  }
0x66: {  	_ =	shalt  }
0x67: {  	_ =	shalt  }
0x68: {  	_ =	shalt  }
0x69: {  	_ =	shalt  }
0x6a: {  	_ =	shalt  }
0x6b: {  	_ =	shalt  }
0x6c: {  	_ =	shalt  }
0x6d: {  	_ =	shalt  }
0x6e: {  	_ =	shalt  }
0x6f: {  	_ =	shalt  }
0x70: {  	_ =	shalt  }
0x71: {  	_ =	shalt  }
0x72: {  	_ =	shalt  }
0x73: {  	_ =	shalt  }
0x74: {  	_ =	shalt  }
0x75: {  	_ =	shalt  }
0x76: {  	_ =	shalt  }
0x77: {  	_ =	shalt  }
0x78: {  	_ =	shalt  }
0x79: {  	_ =	shalt  }
0x7a: {  	_ =	shalt  }
0x7b: {  	_ =	shalt  }
0x7c: {  	_ =	shalt  }
0x7d: {  	_ =	shalt  }
0x7e: {  	_ =	shalt  }
0x7f: {  	_ =	shalt  }
0x80: {  	_ =	shalt  }
0x81: {  	_ =	shalt  }
0x82: {  	_ =	shalt  }
0x83: {  	_ =	shalt  }
0x84: {  	_ =	shalt  }
0x85: {  	_ =	shalt  }
0x86: {  	_ =	shalt  }
0x87: {  	_ =	shalt  }
.Lfunc_end0:
.L_simem_size_0:
called_computation_lowered:
.L_overlay_start_0:
0x88: {  	s2 =	sld [smem:$0x3FD9]  }
0x89: {  	s3 =	sld [smem:$0x3FFE];
	_ =	sdelay $0x1  }
0x8a: {  	s1 =	srdreg.scid  }
0x8b: {  	s0 =	sand.u32 $0x1, s1  }
0x8c: {  	s17 =	sshll.u32 s0, $0xA;
	s2 =	sadd.s32 s3, s2  }
0x8d: {  	s2 =	sadd.s32 s2, s17  }
0x8e: {  	[smem:$0x3FC4] =	sst s2  }
0x8f: {  	_ = 	snop  }
0x90: {  	(tm) =	ssettm $0x1  }
0x91: {  	s18 =	sld [smem:$0x3FFB];
	_ =	sdelay $0x3  }
0x92: {  	_ =	strace s18  }
0x93: {  	s2 =	sld [smem:$0x3FFC];
	_ =	sdelay $0x3  }
0x94: {  	_ =	strace s2  }
0x95: {  	s2 =	sld [smem:$0x3FFD];
	_ =	sdelay $0x3  }
0x96: {  	_ =	strace s2  }
0x97: {  	_ =	strace $0x8FFFFFFF  }
0x98: {  	s19 =	sld [smem:$0x3FDB];
	_ =	sdelay $0x1  }
0x99: {  	s20 =	simm.s32 $_scs_section_size  }
0x9a: {  	s4 =	simm.s32 $_size__tile_overlayer_lowered;
	s5 =	simm.s32 $_tile_overlayer_lowered  }
0x9b: {  	s6 =	simm.s32 $0x1BFF;
	s21 =	sshll.u32 s5, $0x1;
	s3 =	sadd.s32 s20, s19  }
0x9c: {  	s22 =	simm.s32 $0x0;
	s4 =	sshll.u32 s4, $0x1;
	s5 =	sadd.s32 s21, s3  }
0x9d: {  	[timem:s22], [sflag:s6] =	dma.local [hbm:s5], s4  }
0x9e: {  	_ =	swait.ge [sflag:s6], s4  }
0x9f: {  	s4 =	ssub.s32 $0x0, s4;
	[sflag:s6] =	ssyncset.done $0x0  }
0xa0: {  	[sflag:s6] =	ssyncadd.s32 s4;
	_ =	sdelay $0x1  }
0xa1: {  	s23 =	simm.s32 $0x1B8B  }
0xa2: {  	_ =	swait.ge [sflag:s23], $0x1  }
0xa3: {  	[sflag:s23] =	ssyncset.done $0x0  }
0xa4: {  	[sflag:s23] =	ssyncadd.s32 $0xFFFFFFFF  }
0xa5: {  	s4 =	sld [smem:$0x0]  }
0xa6: {  	s5 =	sand.u32 $0xFFFFFFFE, s1  }
0xa7: {  	p0 =	sne.s32 s1, s5  }
0xa8: {  	s5 =	sshll.u32 @p0 s5, $0xE  }
0xa9: {  	s5 =	sadd.s32 @p0 $0x11B8D, s5;
	s6 =	sshll.u32 @p0 s4, $0x11  }
0xaa: {  	s5 =	sor.u32 @p0 s6, s5  }
0xab: {  	[sflag:s5] =	ssyncadd.remote.s32 @p0 $0x1;
	_ =	sdelay $0x1  }
0xac: {  	s5 =	simm.s32 @p0 $0x1B8D  }
0xad: {  	_ =	swait.eq @p0 [sflag:s5], $0x1  }
0xae: {  	[sflag:s5] =	ssyncadd.s32 @p0 $0xFFFFFFFF  }
0xaf: {  	s6 =	sshll.u32 @!p0 s1, $0xE  }
0xb0: {  	s6 =	sor.u32 @!p0 $0x4000, s6;
	s5 =	simm.s32 @!p0 $0x1B8D  }
0xb1: {  	s4 =	sshll.u32 @!p0 s4, $0x11;
	s6 =	sadd.s32 @!p0 $0x11B8D, s6;
	_ =	swait.eq @!p0 [sflag:s5], $0x1  }
0xb2: {  	s4 =	sor.u32 @!p0 s4, s6;
	[sflag:s5] =	ssyncadd.s32 @!p0 $0xFFFFFFFF  }
0xb3: {  	s25 =	simm.s32 $0x1B8E;
	s24 =	sld [smem:$0x3FFE];
	[sflag:s4] =	ssyncadd.remote.s32 @!p0 $0x1  }
0xb4: {  	s26 =	simm.s32 $execute0_lowered;
	[smem:$0x3FD2] =	sst s25  }
0xb5: {  	s5 =	sshll.u32 s26, $0x1;
	_ =	strace $0x8000004F;
	[dreg:$0x1] =	wrdreg $0xFFFFFFFF  }
0xb6: {  	s28 =	simm.s32 $_size_execute0_lowered;
	s3 =	sadd.s32 s3, s5;
	[dreg:$0x0] =	wrdreg $0x0  }
0xb7: {  	s5 =	sshll.u32 s28, $0x1;
	[dreg:$0x2] =	wrdreg s3  }
0xb8: {  	[dreg:$0x3] =	wrdreg s5  }
0xb9: {  	[dreg:$0x4] =	wrdreg $0xC0  }
0xba: {  	_ =	task [dreg:s22], $0x5FFFF  }
0xbb: {  	[dreg:$0x1] =	wrdreg $0xFFFFFFFF  }
0xbc: {  	[dreg:$0x0] =	wrdreg $0x60  }
0xbd: {  	[dreg:$0x2] =	wrdreg s24  }
0xbe: {  	[dreg:$0x3] =	wrdreg $0x9  }
0xbf: {  	_ =	task.clear_ibuf [dreg:s22], $0x4FFFF;
	_ =	strace $0x9000004F  }
0xc0: {  	s29 =	simm.s32 $0x9;
	_ =	strace $0x80000051  }
0xc1: {  	_ =	swait.ge [sflag:s29], $0x1  }
0xc2: {  	[sflag:s29] =	ssyncadd.s32 $0xFFFFFFFF  }
0xc3: {  	_ =	strace $0x90000051  }
0xc4: {  	_ =	sfence  }
0xc5: {  	s30 =	sld [smem:$0x0];
	_ =	sdelay $0x2  }
0xc6: {  	s31 =	sshll.u32 s1, $0xD;
	s1 =	sshrl.u32 s1, $0x2  }
0xc7: {  	s4 =	sand.u32 $0x4000, s31;
	s1 =	sadd.s32 s1, s30  }
0xc8: {  	s0 =	sor.u32 s4, s0;
	s1 =	sshll.u32 s1, $0x11  }
0xc9: {  	s0 =	sor.u32 s1, s0  }
0xca: {  	s0 =	sadd.s32 $0x8F2B, s0  }
0xcb: {  	[sflag:s0] =	ssyncadd.remote.s32 $0x1  }
0xcc: {  	_ =	sfence.sel $0xFFFF  }
0xcd: {  	[dreg:$0x0] =	wrdreg $0xFFFFFFFF;
	(pc) =	sbr.abs _section_cstart, $3  }
0xce: {  	[dreg:$0x1] =	wrdreg $0xFFFFFFFF  }
0xcf: {  	_ =	task.clear_ibuf [dreg:s22], $0x2FFFF;
	_ =	strace $0x9FFFFFFF  }
0xd0: {  	(tm) =	ssettm $0x7FFFFFFF  }
0xd1: {  	_ =	shalt  }
tec
execute0_lowered:
.L_overlay_start_1:
0x0: {  	(tag) =	ssettag $0x1  }
0x1: {  	s1 =	srdreg.scid;
	s0 =	stileid.u32  }
0x2: {  	s25 =	sand.u32 $0x1, s1;
	s30 =	sshll.u32 s0, $0x1  }
0x3: {  	s6 =	sor.u32 s25, s30  }
0x4: {  	s3 =	smul.u32 $0x38, s6  }
0x5: {  	s9 =	rddreg [dreg:$0x0];
	s2 =	simm.s32 $0x0  }
0x6: {  	s4 =	simm.s32 $0x4;
	[smem:$0x7FF] =	sst s2;
	s3 =	sadd.s32 s3, s9  }
0x7: {  	s1 =	rddreg [dreg:$0x1];
	_ =	strace $0x80000050;
	s3 =	sadd.s32 $0x561A00, s3  }
0x8: {  	[tilespmem:s2], [sflag:$0x4] =	stream.linear.gather [hbm4b:s3+s2], $0x1C0, $0x38;
	[tilespmem:$0x1C200] =	vst v63  }
0x9: {  	s7 =	simm.s32 $0x200;
	_ =	swait.ge [sflag:s4], $0x1C0  }
0xa: {  	s8 =	simm.s32 $0x1;
	s5 =	sadd.s32 $0x2600, s9;
	[sflag:s4] =	ssyncset.done $0x0  }
0xb: {  	s10 =	smul.u32 $0xE000, s6;
	s6 =	simm.s32 $0x38;
	[sflag:s4] =	ssyncadd.s32 $0xFFFFFE40  }
0xc: {  	[tilespmem:s7], [sflag:$0x1] =	stream.indirect.gather [hbm4b:s5+s6], $0x400, s2, s6, $0xb8;
	[tilespmem:$0x1C200] =	vst v63  }
0xd: {  	_ =	swait.ge [sflag:s8], $0xE000  }
0xe: {  	s26 =	sadd.s32 s10, s9;
	[sflag:s8] =	ssyncset.done $0x0  }
0xf: {  	s9 =	sadd.s32 $0x562200, s26;
	[sflag:s8] =	ssyncadd.s32 $0xFFFF2000  }
0x10: {  	[hbm4b:s9+s2] =	stream.linear.scatter [tilespmem:s7], [sflag:$0x2], $0xE000, $0x38;
	[tilespmem:$0x1C200] =	vst v63  }
0x11: {  	s10 =	simm.s32 $0xE200  }
0x12: {  	[tilespmem:s10], [sflag:$0x1] =	stream.indirect.gather [hbm4b:s5+s6], $0x400, s6, s6, $0xb8;
	[tilespmem:$0x1C200] =	vst v63  }
0x13: {  	_ =	swait.ge [sflag:s8], $0xE000  }
0x14: {  	[sflag:s8] =	ssyncset.done $0x0  }
0x15: {  	s12 =	simm.s32 $0x2;
	s11 =	sadd.s32 $0x563E00, s26;
	[sflag:s8] =	ssyncadd.s32 $0xFFFF2000  }
0x16: {  	[hbm4b:s11+s2] =	stream.linear.scatter [tilespmem:s10], [sflag:$0x3], $0xE000, $0x38;
	[tilespmem:$0x1C200] =	vst v63  }
0x17: {  	_ =	swait.ge [sflag:s12], $0xE000  }
0x18: {  	[sflag:s12] =	ssyncset.done $0x0  }
0x19: {  	s13 =	simm.s32 $0x70;
	[sflag:s12] =	ssyncadd.s32 $0xFFFF2000  }
0x1a: {  	[tilespmem:s7], [sflag:$0x1] =	stream.indirect.gather [hbm4b:s5+s6], $0x400, s13, s6, $0xb8;
	[tilespmem:$0x1C200] =	vst v63  }
0x1b: {  	_ =	swait.ge [sflag:s8], $0xE000  }
0x1c: {  	[sflag:s8] =	ssyncset.done $0x0  }
0x1d: {  	s14 =	simm.s32 $0x3;
	s15 =	sadd.s32 $0x565A00, s26;
	[sflag:s8] =	ssyncadd.s32 $0xFFFF2000  }
0x1e: {  	[hbm4b:s15+s2] =	stream.linear.scatter [tilespmem:s7], [sflag:$0x2], $0xE000, $0x38;
	[tilespmem:$0x1C200] =	vst v63  }
0x1f: {  	_ =	swait.ge [sflag:s14], $0xE000  }
0x20: {  	[sflag:s14] =	ssyncset.done $0x0  }
0x21: {  	s16 =	simm.s32 $0xA8;
	[sflag:s14] =	ssyncadd.s32 $0xFFFF2000  }
0x22: {  	[tilespmem:s10], [sflag:$0x1] =	stream.indirect.gather [hbm4b:s5+s6], $0x400, s16, s6, $0xb8;
	[tilespmem:$0x1C200] =	vst v63  }
0x23: {  	_ =	swait.ge [sflag:s8], $0xE000  }
0x24: {  	[sflag:s8] =	ssyncset.done $0x0  }
0x25: {  	s17 =	sadd.s32 $0x567600, s26;
	[sflag:s8] =	ssyncadd.s32 $0xFFFF2000  }
0x26: {  	[hbm4b:s17+s2] =	stream.linear.scatter [tilespmem:s10], [sflag:$0x3], $0xE000, $0x38;
	[tilespmem:$0x1C200] =	vst v63  }
0x27: {  	_ =	swait.ge [sflag:s12], $0xE000  }
0x28: {  	[sflag:s12] =	ssyncset.done $0x0  }
0x29: {  	s18 =	simm.s32 $0xE0;
	[sflag:s12] =	ssyncadd.s32 $0xFFFF2000  }
0x2a: {  	[tilespmem:s7], [sflag:$0x1] =	stream.indirect.gather [hbm4b:s5+s6], $0x400, s18, s6, $0xb8;
	[tilespmem:$0x1C200] =	vst v63  }
0x2b: {  	_ =	swait.ge [sflag:s8], $0xE000  }
0x2c: {  	[sflag:s8] =	ssyncset.done $0x0  }
0x2d: {  	s19 =	sadd.s32 $0x569200, s26;
	[sflag:s8] =	ssyncadd.s32 $0xFFFF2000  }
0x2e: {  	[hbm4b:s19+s2] =	stream.linear.scatter [tilespmem:s7], [sflag:$0x2], $0xE000, $0x38;
	[tilespmem:$0x1C200] =	vst v63  }
0x2f: {  	_ =	swait.ge [sflag:s14], $0xE000  }
0x30: {  	[sflag:s14] =	ssyncset.done $0x0  }
0x31: {  	s20 =	simm.s32 $0x118;
	[sflag:s14] =	ssyncadd.s32 $0xFFFF2000  }
0x32: {  	[tilespmem:s10], [sflag:$0x1] =	stream.indirect.gather [hbm4b:s5+s6], $0x400, s20, s6, $0xb8;
	[tilespmem:$0x1C200] =	vst v63  }
0x33: {  	_ =	swait.ge [sflag:s8], $0xE000  }
0x34: {  	[sflag:s8] =	ssyncset.done $0x0  }
0x35: {  	s21 =	sadd.s32 $0x56AE00, s26;
	[sflag:s8] =	ssyncadd.s32 $0xFFFF2000  }
0x36: {  	[hbm4b:s21+s2] =	stream.linear.scatter [tilespmem:s10], [sflag:$0x3], $0xE000, $0x38;
	[tilespmem:$0x1C200] =	vst v63  }
0x37: {  	_ =	swait.ge [sflag:s12], $0xE000  }
0x38: {  	[sflag:s12] =	ssyncset.done $0x0  }
0x39: {  	s22 =	simm.s32 $0x150;
	[sflag:s12] =	ssyncadd.s32 $0xFFFF2000  }
0x3a: {  	[tilespmem:s7], [sflag:$0x1] =	stream.indirect.gather [hbm4b:s5+s6], $0x400, s22, s6, $0xb8;
	[tilespmem:$0x1C200] =	vst v63  }
0x3b: {  	_ =	swait.ge [sflag:s8], $0xE000  }
0x3c: {  	[sflag:s8] =	ssyncset.done $0x0  }
0x3d: {  	s23 =	sadd.s32 $0x56CA00, s26;
	[sflag:s8] =	ssyncadd.s32 $0xFFFF2000  }
0x3e: {  	[hbm4b:s23+s2] =	stream.linear.scatter [tilespmem:s7], [sflag:$0x2], $0xE000, $0x38;
	[tilespmem:$0x1C200] =	vst v63  }
0x3f: {  	_ =	swait.ge [sflag:s14], $0xE000  }
0x40: {  	s28 =	ssub.s32 $0x2, s25;
	[sflag:s14] =	ssyncset.done $0x0  }
0x41: {  	s24 =	simm.s32 $0x188;
	s31 =	sshrl.u32 s28, $0x1;
	[sflag:s14] =	ssyncadd.s32 $0xFFFF2000  }
0x42: {  	[tilespmem:s10], [sflag:$0x1] =	stream.indirect.gather [hbm4b:s5+s6], $0x400, s24, s6, $0xb8;
	[tilespmem:$0x1C200] =	vst v63  }
0x43: {  	s25 =	sadd.s32 $0x56E600, s26;
	s26 =	ssub.s32 s28, s31;
	_ =	swait.ge [sflag:s8], $0xE000  }
0x44: {  	s26 =	smax.u32 s26, $0x1;
	[sflag:s8] =	ssyncset.done $0x0  }
0x45: {  	p0 =	sne.s32 s26, $0x1;
	[sflag:s8] =	ssyncadd.s32 $0xFFFF2000  }
0x46: {  	[hbm4b:s25+s2] =	stream.linear.scatter [tilespmem:s10], [sflag:$0x3], $0xE000, $0x38;
	[tilespmem:$0x1C200] =	vst v63  }
.Ltmp0:
0x47: {  	_ =	swait.ge [sflag:s12], $0xE000;
	(pc) =	sbr.rel @!p0 .LBB2_2-.Ltmp0, $4  }
0x48: {  	[sflag:s12] =	ssyncset.done $0x0  }
0x49: {  	[sflag:s12] =	ssyncadd.s32 $0xFFFF2000  }
0x4a: {  	_ =	swait.ge [sflag:s14], $0xE000  }
0x4b: {  	s26 =	sadd.s32 $0xFFFFFFFF, s26;
	[sflag:s14] =	ssyncset.done $0x0  }
.LBB2_1:
0x4c: {  	p0 =	sne.s32 s26, $0x1;
	s26 =	sadd.s32 $0xFFFFFFFF, s26;
	[sflag:s14] =	ssyncadd.s32 $0xFFFF2000  }
0x4d: {  	[tilespmem:s2], [sflag:$0x4] =	stream.linear.gather [hbm4b:s3+s2], $0x1C0, $0x38;
	[tilespmem:$0x1C200] =	vst v63  }
0x4e: {  	_ =	swait.ge [sflag:s4], $0x1C0  }
0x4f: {  	[sflag:s4] =	ssyncset.done $0x0  }
0x50: {  	[sflag:s4] =	ssyncadd.s32 $0xFFFFFE40  }
0x51: {  	[tilespmem:s7], [sflag:$0x1] =	stream.indirect.gather [hbm4b:s5+s6], $0x400, s2, s6, $0xb8;
	[tilespmem:$0x1C200] =	vst v63  }
0x52: {  	_ =	swait.ge [sflag:s8], $0xE000  }
0x53: {  	[sflag:s8] =	ssyncset.done $0x0  }
0x54: {  	[sflag:s8] =	ssyncadd.s32 $0xFFFF2000  }
0x55: {  	[hbm4b:s9+s2] =	stream.linear.scatter [tilespmem:s7], [sflag:$0x2], $0xE000, $0x38;
	[tilespmem:$0x1C200] =	vst v63  }
0x56: {  	_ = 	snop  }
0x57: {  	[tilespmem:s10], [sflag:$0x1] =	stream.indirect.gather [hbm4b:s5+s6], $0x400, s6, s6, $0xb8;
	[tilespmem:$0x1C200] =	vst v63  }
0x58: {  	_ =	swait.ge [sflag:s8], $0xE000  }
0x59: {  	[sflag:s8] =	ssyncset.done $0x0  }
0x5a: {  	[sflag:s8] =	ssyncadd.s32 $0xFFFF2000  }
0x5b: {  	[hbm4b:s11+s2] =	stream.linear.scatter [tilespmem:s10], [sflag:$0x3], $0xE000, $0x38;
	[tilespmem:$0x1C200] =	vst v63  }
0x5c: {  	_ =	swait.ge [sflag:s12], $0xE000  }
0x5d: {  	[sflag:s12] =	ssyncset.done $0x0  }
0x5e: {  	[sflag:s12] =	ssyncadd.s32 $0xFFFF2000  }
0x5f: {  	[tilespmem:s7], [sflag:$0x1] =	stream.indirect.gather [hbm4b:s5+s6], $0x400, s13, s6, $0xb8;
	[tilespmem:$0x1C200] =	vst v63  }
0x60: {  	_ =	swait.ge [sflag:s8], $0xE000  }
0x61: {  	[sflag:s8] =	ssyncset.done $0x0  }
0x62: {  	[sflag:s8] =	ssyncadd.s32 $0xFFFF2000  }
0x63: {  	[hbm4b:s15+s2] =	stream.linear.scatter [tilespmem:s7], [sflag:$0x2], $0xE000, $0x38;
	[tilespmem:$0x1C200] =	vst v63  }
0x64: {  	_ =	swait.ge [sflag:s14], $0xE000  }
0x65: {  	[sflag:s14] =	ssyncset.done $0x0  }
0x66: {  	[sflag:s14] =	ssyncadd.s32 $0xFFFF2000  }
0x67: {  	[tilespmem:s10], [sflag:$0x1] =	stream.indirect.gather [hbm4b:s5+s6], $0x400, s16, s6, $0xb8;
	[tilespmem:$0x1C200] =	vst v63  }
0x68: {  	_ =	swait.ge [sflag:s8], $0xE000  }
0x69: {  	[sflag:s8] =	ssyncset.done $0x0  }
0x6a: {  	[sflag:s8] =	ssyncadd.s32 $0xFFFF2000  }
0x6b: {  	[hbm4b:s17+s2] =	stream.linear.scatter [tilespmem:s10], [sflag:$0x3], $0xE000, $0x38;
	[tilespmem:$0x1C200] =	vst v63  }
0x6c: {  	_ =	swait.ge [sflag:s12], $0xE000  }
0x6d: {  	[sflag:s12] =	ssyncset.done $0x0  }
0x6e: {  	[sflag:s12] =	ssyncadd.s32 $0xFFFF2000  }
0x6f: {  	[tilespmem:s7], [sflag:$0x1] =	stream.indirect.gather [hbm4b:s5+s6], $0x400, s18, s6, $0xb8;
	[tilespmem:$0x1C200] =	vst v63  }
0x70: {  	_ =	swait.ge [sflag:s8], $0xE000  }
0x71: {  	[sflag:s8] =	ssyncset.done $0x0  }
0x72: {  	[sflag:s8] =	ssyncadd.s32 $0xFFFF2000  }
0x73: {  	[hbm4b:s19+s2] =	stream.linear.scatter [tilespmem:s7], [sflag:$0x2], $0xE000, $0x38;
	[tilespmem:$0x1C200] =	vst v63  }
0x74: {  	_ =	swait.ge [sflag:s14], $0xE000  }
0x75: {  	[sflag:s14] =	ssyncset.done $0x0  }
0x76: {  	[sflag:s14] =	ssyncadd.s32 $0xFFFF2000  }
0x77: {  	[tilespmem:s10], [sflag:$0x1] =	stream.indirect.gather [hbm4b:s5+s6], $0x400, s20, s6, $0xb8;
	[tilespmem:$0x1C200] =	vst v63  }
0x78: {  	_ =	swait.ge [sflag:s8], $0xE000  }
0x79: {  	[sflag:s8] =	ssyncset.done $0x0  }
0x7a: {  	[sflag:s8] =	ssyncadd.s32 $0xFFFF2000  }
0x7b: {  	[hbm4b:s21+s2] =	stream.linear.scatter [tilespmem:s10], [sflag:$0x3], $0xE000, $0x38;
	[tilespmem:$0x1C200] =	vst v63  }
0x7c: {  	_ =	swait.ge [sflag:s12], $0xE000  }
0x7d: {  	[sflag:s12] =	ssyncset.done $0x0  }
0x7e: {  	[sflag:s12] =	ssyncadd.s32 $0xFFFF2000  }
0x7f: {  	[tilespmem:s7], [sflag:$0x1] =	stream.indirect.gather [hbm4b:s5+s6], $0x400, s22, s6, $0xb8;
	[tilespmem:$0x1C200] =	vst v63  }
0x80: {  	_ =	swait.ge [sflag:s8], $0xE000  }
0x81: {  	[sflag:s8] =	ssyncset.done $0x0  }
0x82: {  	[sflag:s8] =	ssyncadd.s32 $0xFFFF2000  }
0x83: {  	[hbm4b:s23+s2] =	stream.linear.scatter [tilespmem:s7], [sflag:$0x2], $0xE000, $0x38;
	[tilespmem:$0x1C200] =	vst v63  }
0x84: {  	_ =	swait.ge [sflag:s14], $0xE000  }
0x85: {  	[sflag:s14] =	ssyncset.done $0x0  }
0x86: {  	[sflag:s14] =	ssyncadd.s32 $0xFFFF2000  }
0x87: {  	[tilespmem:s10], [sflag:$0x1] =	stream.indirect.gather [hbm4b:s5+s6], $0x400, s24, s6, $0xb8;
	[tilespmem:$0x1C200] =	vst v63  }
0x88: {  	_ =	swait.ge [sflag:s8], $0xE000  }
0x89: {  	[sflag:s8] =	ssyncset.done $0x0  }
0x8a: {  	[sflag:s8] =	ssyncadd.s32 $0xFFFF2000  }
0x8b: {  	[hbm4b:s25+s2] =	stream.linear.scatter [tilespmem:s10], [sflag:$0x3], $0xE000, $0x38;
	[tilespmem:$0x1C200] =	vst v63  }
.Ltmp1:
0x8c: {  	_ =	swait.ge [sflag:s12], $0xE000;
	(pc) =	sbr.rel @p0 .LBB2_1-.Ltmp1, $4  }
0x8d: {  	[sflag:s12] =	ssyncset.done $0x0  }
0x8e: {  	[sflag:s12] =	ssyncadd.s32 $0xFFFF2000  }
0x8f: {  	_ =	swait.ge [sflag:s14], $0xE000  }
0x90: {  	[sflag:s14] =	ssyncset.done $0x0  }
.LBB2_2:
0x91: {  	[sflag:s14] =	ssyncadd.s32 $0xFFFF2000  }
0x92: {  	_ =	sfence.sel $0x180000  }
0x93: {  	[bflag:$0x0] =	sbarrier.arrive $0xFFFF  }
0x94: {  	p0 =	sne.s32 s0, $0x0;
	_ =	strace $0x90000050  }
0x95: {  	s0 =	sadd.s32 @!p0 $0x100000, s1;
	[bflag:$0x2] =	sbarrier.arrive $0xFFFF  }
0x96: {  	[sflag:s0] =	ssyncadd.tile.s32 @!p0 $0x1;
	_ =	shalt  }
.Lfunc_end2:
_tile_overlayer_lowered:
.L_overlay_start_2:
0x97: {  	(tag) =	ssettag $0x2  }
0x98: {  	s0 =	rddreg [dreg:$0x0];
	s2 =	stileid.u32  }
0x99: {  	s1 =	rddreg [dreg:$0x1];
	p0 =	sne.s32 s2, $0x0  }
0x9a: {  	s3 =	rddreg [dreg:$0x2];
	[bflag:$0x3] =	sbarrier.arrive $0xFFFF;
	s2 =	simm.s32 @!p0 $0x1C04  }
0x9b: {  	[timem:s3], [sflag:s2] =	dma.local @!p0 [hbm:s0], s1  }
0x9c: {  	s0 =	simm.s32 @!p0 $0x4  }
0x9d: {  	_ =	swait.ge @!p0 [sflag:s0], s1  }
0x9e: {  	s1 =	ssub.s32 @!p0 $0x0, s1;
	[sflag:s0] =	ssyncset.done @!p0 $0x0  }
0x9f: {  	[sflag:s0] =	ssyncadd.s32 @!p0 s1  }
0xa0: {  	[bflag:$0x3] =	sbarrier.arrive $0xFFFF  }
0xa1: {  	_ =	shalt  }

</sc_bundles>
